<compile_context>
chip_gen: v7x
topology: tpu7x:2x2x1
jax: 0.10.2.dev20260603
libtpu: 0.0.44.dev20260713+nightly
codegen_flags: <defaults>
</compile_context>

<pallas_src>
import functools

import jax
import jax.numpy as jnp
from jax import lax
from jax.experimental import pallas as pl
from jax.experimental.pallas import tpu as pltpu
from jax.experimental.pallas import tpu_sc as plsc

N_EDGES = 320000
N_SEG = 10000
D = 128

NC = 2
NS = 16
L = 16
NW = NC * NS
EPT = N_EDGES // NW
CH = 80
NCHUNK = EPT // CH
SEG_PT = N_SEG // NS
ZCH = 125
NZ = SEG_PT // ZCH

BA = 2000
BC = 1000


def _score_body(x_ref, w1_ref, b1_ref, w2_ref, b2_ref, vals_ref, ex_ref):
    x = x_ref[...]
    h = jnp.tanh(jnp.dot(x, w1_ref[...], preferred_element_type=jnp.float32)
                 + b1_ref[...])
    s = jnp.dot(h, w2_ref[...], preferred_element_type=jnp.float32) + b2_ref[0, 0]
    c = jnp.sum(jnp.abs(w2_ref[...])) + jnp.abs(b2_ref[0, 0])
    e = jnp.exp(s - c)
    ex_ref[...] = e
    vals_ref[...] = x * e


_score_call = pl.pallas_call(
    _score_body,
    grid=(N_EDGES // BA,),
    in_specs=[
        pl.BlockSpec((BA, D), lambda i: (i, 0)),
        pl.BlockSpec((D, D), lambda i: (0, 0)),
        pl.BlockSpec((1, D), lambda i: (0, 0)),
        pl.BlockSpec((D, 1), lambda i: (0, 0)),
        pl.BlockSpec((1, 1), lambda i: (0, 0)),
    ],
    out_specs=[
        pl.BlockSpec((BA, D), lambda i: (i, 0)),
        pl.BlockSpec((BA, 1), lambda i: (i, 0)),
    ],
    out_shape=[
        jax.ShapeDtypeStruct((N_EDGES, D), jnp.float32),
        jax.ShapeDtypeStruct((N_EDGES, 1), jnp.float32),
    ],
)


_sc_mesh = plsc.VectorSubcoreMesh(
    core_axis_name="c", subcore_axis_name="s", num_cores=NC, num_subcores=NS)


@functools.partial(
    pl.kernel,
    out_type=(
        jax.ShapeDtypeStruct((NC, N_SEG, D), jnp.float32),
        jax.ShapeDtypeStruct((NC, N_SEG), jnp.float32),
        jax.ShapeDtypeStruct((NC, N_SEG), jnp.float32),
    ),
    mesh=_sc_mesh,
    scratch_types=[
        pltpu.VMEM_SHARED((N_SEG, D), jnp.float32),
        pltpu.VMEM_SHARED((N_SEG,), jnp.float32),
        pltpu.VMEM_SHARED((N_SEG,), jnp.float32),
        pltpu.VMEM((CH, D), jnp.float32),
        pltpu.VMEM((CH, D), jnp.float32),
        pltpu.VMEM((CH,), jnp.float32),
        pltpu.VMEM((CH,), jnp.float32),
        pltpu.VMEM((CH,), jnp.int32),
        pltpu.VMEM((CH,), jnp.int32),
        pltpu.VMEM((CH,), jnp.float32),
        pltpu.VMEM((ZCH, D), jnp.float32),
        pltpu.VMEM((2000,), jnp.float32),
        pltpu.SemaphoreType.DMA,
        pltpu.SemaphoreType.DMA,
    ],
)
def _seg_kernel(vals_hbm, ex_hbm, src_hbm, s_out, d_out, c_out,
                S_acc, d_acc, c_acc, row_a, row_b, ex_a, ex_b, idx_a, idx_b,
                ones_buf, zrow_buf, zvec_buf, sem_a, sem_b):
    cid = lax.axis_index("c")
    sid = lax.axis_index("s")
    wid = sid * NC + cid
    rows = (row_a, row_b)
    exs = (ex_a, ex_b)
    idxs = (idx_a, idx_b)
    sems = (sem_a, sem_b)

    def fill_row(i, _):
        def fill_lane(j, _):
            zrow_buf[i, pl.ds(j * L, L)] = jnp.zeros((L,), jnp.float32)
            return 0
        return lax.fori_loop(0, D // L, fill_lane, 0)
    lax.fori_loop(0, ZCH, fill_row, 0)

    def fill_vec(i, _):
        ones_buf[pl.ds(i * L, L)] = jnp.ones((L,), jnp.float32)
        return 0
    lax.fori_loop(0, CH // L, fill_vec, 0)

    def fill_z(i, _):
        zvec_buf[pl.ds(i * L, L)] = jnp.zeros((L,), jnp.float32)
        return 0
    lax.fori_loop(0, 2000 // L, fill_z, 0)

    def zero_rows(i, _):
        pltpu.sync_copy(zrow_buf, S_acc.at[pl.ds(sid * SEG_PT + i * ZCH, ZCH)])
        return 0
    lax.fori_loop(0, NZ, zero_rows, 0)

    @pl.when(sid < 5)
    def _():
        pltpu.sync_copy(zvec_buf, d_acc.at[pl.ds(sid * 2000, 2000)])

    @pl.when((sid >= 5) & (sid < 10))
    def _():
        pltpu.sync_copy(zvec_buf, c_acc.at[pl.ds((sid - 5) * 2000, 2000)])

    plsc.subcore_barrier()

    base0 = wid * EPT

    def start_loads(j, p):
        b = base0 + j * CH
        pltpu.async_copy(vals_hbm.at[pl.ds(b, CH)], rows[p], sems[p])
        pltpu.async_copy(ex_hbm.at[pl.ds(b, CH)], exs[p], sems[p])
        pltpu.async_copy(src_hbm.at[pl.ds(b, CH)], idxs[p], sems[p])

    def wait_loads(j, p):
        b = base0 + j * CH
        pltpu.make_async_copy(vals_hbm.at[pl.ds(b, CH)], rows[p], sems[p]).wait()
        pltpu.make_async_copy(ex_hbm.at[pl.ds(b, CH)], exs[p], sems[p]).wait()
        pltpu.make_async_copy(src_hbm.at[pl.ds(b, CH)], idxs[p], sems[p]).wait()

    def scatter(p):
        pltpu.sync_copy(rows[p], S_acc.at[idxs[p]], add=True)
        pltpu.sync_copy(exs[p], d_acc.at[idxs[p]], add=True)
        pltpu.sync_copy(ones_buf, c_acc.at[idxs[p]], add=True)

    start_loads(0, 0)

    def pair(i, _):
        j = 2 * i
        start_loads(j + 1, 1)
        wait_loads(j, 0)
        scatter(0)
        start_loads(j + 2, 0)
        wait_loads(j + 1, 1)
        scatter(1)
        return 0
    lax.fori_loop(0, (NCHUNK - 1) // 2, pair, 0)

    wait_loads(NCHUNK - 1, 0)
    scatter(0)

    plsc.subcore_barrier()

    @pl.when(sid < 10)
    def _():
        r0 = sid * 1000
        pltpu.sync_copy(S_acc.at[pl.ds(r0, 1000)],
                        s_out.at[cid, pl.ds(r0, 1000)])

    @pl.when(sid == 0)
    def _():
        pltpu.sync_copy(d_acc, d_out.at[cid])
        pltpu.sync_copy(c_acc, c_out.at[cid])


def _final_body(s_ref, d_ref, c_ref, o_ref):
    s = s_ref[0] + s_ref[1]
    d = d_ref[0] + d_ref[1]
    c = c_ref[0] + c_ref[1]
    denom = d * jnp.maximum(c, 1.0)
    o_ref[...] = jnp.where(denom > 0.0, s / denom, 0.0)


_final_call = pl.pallas_call(
    _final_body,
    grid=(N_SEG // BC,),
    in_specs=[
        pl.BlockSpec((NC, BC, D), lambda i: (0, i, 0)),
        pl.BlockSpec((NC, BC, 1), lambda i: (0, i, 0)),
        pl.BlockSpec((NC, BC, 1), lambda i: (0, i, 0)),
    ],
    out_specs=pl.BlockSpec((BC, D), lambda i: (i, 0)),
    out_shape=jax.ShapeDtypeStruct((N_SEG, D), jnp.float32),
)


def kernel(act_feat, src, W1, b1, W2, b2):
    vals, ex = _score_call(act_feat, W1, b1.reshape(1, D), W2, b2.reshape(1, 1))
    s2, d2, c2 = _seg_kernel(vals, ex.reshape(N_EDGES), src.astype(jnp.int32))
    return _final_call(s2, d2.reshape(NC, N_SEG, 1), c2.reshape(NC, N_SEG, 1))

# --- scband reference (transcript-rebuilt; emitter-appended) ---
"""Pipeline reference for scband-req-add-att-24721831756513 (READ-ONLY COPY).

The authoritative reference and input builder live on the scoring server;
editing this copy changes nothing except your own understanding.
"""

import jax, jax.numpy as jnp
import numpy as np

N_EDGES = 320000
N_SEG = 10000
D = 128


def setup_inputs(seed: int = 0) -> dict:
    key = jax.random.key(seed)
    k1, k2, k3, k4, k5, k6 = jax.random.split(key, 6)
    act_feat = jax.random.normal(k1, (N_EDGES, D), dtype=jnp.float32)
    src = jnp.sort(jax.random.randint(k2, (N_EDGES,), 0, N_SEG))
    # att MLP params: Linear(D, D) -> Tanh -> Linear(D, 1)
    W1 = jax.random.normal(k3, (D, D), dtype=jnp.float32) * (1.0 / np.sqrt(D))
    b1 = jnp.zeros((D,), dtype=jnp.float32)
    W2 = jax.random.normal(k4, (D, 1), dtype=jnp.float32) * (1.0 / np.sqrt(D))
    b2 = jnp.zeros((1,), dtype=jnp.float32)
    return {"act_feat": act_feat, "src": src, "W1": W1, "b1": b1, "W2": W2, "b2": b2}


def reference(act_feat, src, W1, b1, W2, b2):
    # att score MLP
    h = jnp.tanh(act_feat @ W1 + b1)
    score = h @ W2 + b2  # [N, 1]
    # scatter_softmax over segments defined by src (dim=0)
    seg_max = jax.ops.segment_max(score, src, num_segments=N_SEG)
    seg_max = jnp.where(jnp.isfinite(seg_max), seg_max, 0.0)
    ex = jnp.exp(score - seg_max[src])
    denom = jax.ops.segment_sum(ex, src, num_segments=N_SEG)
    att = ex / denom[src]
    # scatter_mean(att * act_feat, src, dim=0)
    vals = att * act_feat  # [N, D]
    seg_sum = jax.ops.segment_sum(vals, src, num_segments=N_SEG)
    counts = jax.ops.segment_sum(jnp.ones((N_EDGES, 1), dtype=jnp.float32), src, num_segments=N_SEG)
    out = seg_sum / jnp.maximum(counts, 1.0)
    return out

if __name__ == "__main__":
    import jax
    _d = setup_inputs()
    print(jax.jit(kernel)(*tuple(_d.values())))

</pallas_src>

<mosaic_0001>
#map = affine_map<(d0, d1) -> (0, 0)>
#map1 = affine_map<(d0, d1) -> (0)>
#map2 = affine_map<(d0, d1) -> (0, 0, 0)>
module attributes {stable_mosaic.version = 14 : i64} {
  func.func @_seg_kernel(%arg0: i32, %arg1: i32, %arg2: memref<320000x128xf32, #tpu.memory_space<hbm>>, %arg3: memref<320000xf32, #tpu.memory_space<hbm>>, %arg4: memref<320000xi32, #tpu.memory_space<hbm>>, %arg5: memref<2x10000x128xf32, #tpu.memory_space<hbm>>, %arg6: memref<2x10000xf32, #tpu.memory_space<hbm>>, %arg7: memref<2x10000xf32, #tpu.memory_space<hbm>>, %arg8: memref<10000x128xf32, #tpu.memory_space<vmem_shared>>, %arg9: memref<10000xf32, #tpu.memory_space<vmem_shared>>, %arg10: memref<10000xf32, #tpu.memory_space<vmem_shared>>, %arg11: memref<80x128xf32, #tpu.memory_space<vmem>>, %arg12: memref<80x128xf32, #tpu.memory_space<vmem>>, %arg13: memref<80xf32, #tpu.memory_space<vmem>>, %arg14: memref<80xf32, #tpu.memory_space<vmem>>, %arg15: memref<80xi32, #tpu.memory_space<vmem>>, %arg16: memref<80xi32, #tpu.memory_space<vmem>>, %arg17: memref<80xf32, #tpu.memory_space<vmem>>, %arg18: memref<125x128xf32, #tpu.memory_space<vmem>>, %arg19: memref<2000xf32, #tpu.memory_space<vmem>>, %arg20: memref<!tpu.dma_semaphore, #tpu.memory_space<semaphore_mem>>, %arg21: memref<!tpu.dma_semaphore, #tpu.memory_space<semaphore_mem>>) attributes {dimension_semantics = [#tpu.dimension_semantics<core_parallel>, #tpu.dimension_semantics<subcore_parallel>], iteration_bounds = array<i64: 2, 16>, scalar_prefetch = 0 : i64, scratch_operands = 14 : i64, tpu.core_type = #tpu.core_type<sc_vector_subcore>, window_params = [{transform_indices = #map}, {transform_indices = #map1}, {transform_indices = #map1}, {transform_indices = #map2}, {transform_indices = #map}, {transform_indices = #map}]} {
    %mul3A = arith.constant 2 : i32
    %mul3A_0 = arith.muli %arg1, %mul3A : i32
    %add3A = arith.addi %mul3A_0, %arg0 : i32
    %scan3A = arith.constant 0 : i32
    %scan3A_1 = arith.constant 0 : i32
    %scan3A_2 = arith.constant 125 : i32
    %scan3A_3 = arith.addi %scan3A_1, %scan3A_2 : i32
    %scan3A_4 = arith.constant 1 : i32
    %scan3A_5 = scf.for %scan3A_73 = %scan3A_1 to %scan3A_3 step %scan3A_4 iter_args(%scan3A_74 = %scan3A) -> (i32)  : i32 {
      %scan3A_75 = arith.constant 0 : i32
      %scan3A_76 = arith.constant 0 : i32
      %scan3A_77 = arith.constant 8 : i32
      %scan3A_78 = arith.addi %scan3A_76, %scan3A_77 : i32
      %scan3A_79 = arith.constant 1 : i32
      %scan3A_80 = scf.for %scan3A_82 = %scan3A_76 to %scan3A_78 step %scan3A_79 iter_args(%scan3A_83 = %scan3A_75) -> (i32)  : i32 {
        %broadcast_in_dim3A = arith.constant 0.000000e+00 : f32
        %broadcast_in_dim3A_84 = vector.broadcast %broadcast_in_dim3A : f32 to vector<16xf32>
        %mul3A_85 = arith.constant 16 : i32
        %mul3A_86 = arith.muli %scan3A_82, %mul3A_85 : i32
        %swap3A = arith.index_cast %scan3A_73 : i32 to index
        %swap3A_87 = arith.index_cast %mul3A_86 : i32 to index
        %swap3A_88 = tpu.vector_load %arg18[%swap3A, %swap3A_87] {strides = array<i32>} : memref<125x128xf32, #tpu.memory_space<vmem>>, vector<1x16xf32>,
        %swap3A_89 = vector.shape_cast %swap3A_88 : vector<1x16xf32> to vector<16xf32>
        %swap3A_90 = vector.shape_cast %broadcast_in_dim3A_84 : vector<16xf32> to vector<1x16xf32>
        tpu.vector_store %arg18[%swap3A, %swap3A_87], %swap3A_90 {strides = array<i32>} : memref<125x128xf32, #tpu.memory_space<vmem>>, vector<1x16xf32>,
        %scan3A_91 = arith.constant 0 : i32
        scf.yield %scan3A_91 : i32
      }
      %scan3A_81 = arith.constant 8 : i32
      scf.yield %scan3A_80 : i32
    }
    %scan3A_6 = arith.constant 125 : i32
    %scan3A_7 = arith.constant 0 : i32
    %scan3A_8 = arith.constant 0 : i32
    %scan3A_9 = arith.constant 5 : i32
    %scan3A_10 = arith.addi %scan3A_8, %scan3A_9 : i32
    %scan3A_11 = arith.constant 1 : i32
    %scan3A_12 = scf.for %scan3A_73 = %scan3A_8 to %scan3A_10 step %scan3A_11 iter_args(%scan3A_74 = %scan3A_7) -> (i32)  : i32 {
      %broadcast_in_dim3A = arith.constant 1.000000e+00 : f32
      %broadcast_in_dim3A_75 = vector.broadcast %broadcast_in_dim3A : f32 to vector<16xf32>
      %mul3A_76 = arith.constant 16 : i32
      %mul3A_77 = arith.muli %scan3A_73, %mul3A_76 : i32
      %swap3A = arith.index_cast %mul3A_77 : i32 to index
      %swap3A_78 = tpu.vector_load %arg17[%swap3A] {strides = array<i32>} : memref<80xf32, #tpu.memory_space<vmem>>, vector<16xf32>,
      %swap3A_79 = vector.shape_cast %swap3A_78 : vector<16xf32> to vector<16xf32>
      %swap3A_80 = vector.shape_cast %broadcast_in_dim3A_75 : vector<16xf32> to vector<16xf32>
      tpu.vector_store %arg17[%swap3A], %swap3A_80 {strides = array<i32>} : memref<80xf32, #tpu.memory_space<vmem>>, vector<16xf32>,
      %scan3A_81 = arith.constant 0 : i32
      scf.yield %scan3A_81 : i32
    }
    %scan3A_13 = arith.constant 5 : i32
    %scan3A_14 = arith.constant 0 : i32
    %scan3A_15 = arith.constant 0 : i32
    %scan3A_16 = arith.constant 125 : i32
    %scan3A_17 = arith.addi %scan3A_15, %scan3A_16 : i32
    %scan3A_18 = arith.constant 1 : i32
    %scan3A_19 = scf.for %scan3A_73 = %scan3A_15 to %scan3A_17 step %scan3A_18 iter_args(%scan3A_74 = %scan3A_14) -> (i32)  : i32 {
      %broadcast_in_dim3A = arith.constant 0.000000e+00 : f32
      %broadcast_in_dim3A_75 = vector.broadcast %broadcast_in_dim3A : f32 to vector<16xf32>
      %mul3A_76 = arith.constant 16 : i32
      %mul3A_77 = arith.muli %scan3A_73, %mul3A_76 : i32
      %swap3A = arith.index_cast %mul3A_77 : i32 to index
      %swap3A_78 = tpu.vector_load %arg19[%swap3A] {strides = array<i32>} : memref<2000xf32, #tpu.memory_space<vmem>>, vector<16xf32>,
      %swap3A_79 = vector.shape_cast %swap3A_78 : vector<16xf32> to vector<16xf32>
      %swap3A_80 = vector.shape_cast %broadcast_in_dim3A_75 : vector<16xf32> to vector<16xf32>
      tpu.vector_store %arg19[%swap3A], %swap3A_80 {strides = array<i32>} : memref<2000xf32, #tpu.memory_space<vmem>>, vector<16xf32>,
      %scan3A_81 = arith.constant 0 : i32
      scf.yield %scan3A_81 : i32
    }
    %scan3A_20 = arith.constant 125 : i32
    %scan3A_21 = arith.constant 0 : i32
    %scan3A_22 = arith.constant 0 : i32
    %scan3A_23 = arith.constant 5 : i32
    %scan3A_24 = arith.addi %scan3A_22, %scan3A_23 : i32
    %scan3A_25 = arith.constant 1 : i32
    %scan3A_26 = scf.for %scan3A_73 = %scan3A_22 to %scan3A_24 step %scan3A_25 iter_args(%scan3A_74 = %scan3A_21) -> (i32)  : i32 {
      %mul3A_75 = arith.constant 625 : i32
      %mul3A_76 = arith.muli %arg1, %mul3A_75 : i32
      %mul3A_77 = arith.constant 125 : i32
      %mul3A_78 = arith.muli %scan3A_73, %mul3A_77 : i32
      %add3A_79 = arith.addi %mul3A_76, %mul3A_78 : i32
      "tpu.region"() ({
        %run_scoped3A = tpu.sem_alloc : memref<!tpu.dma_semaphore, #tpu.memory_space<semaphore_mem>>
        %dma_start3A_81 = arith.constant 0 : i32
        %dma_start3A_82 = tpu.memref_slice %arg8[%add3A_79, %dma_start3A_81] : memref<10000x128xf32, #tpu.memory_space<vmem_shared>> -> memref<125x128xf32, #tpu.memory_space<vmem_shared>>
        %dma_start3A_83 = arith.constant 0 : i32
        %dma_start3A_84 = tpu.memref_slice %arg8[%add3A_79, %dma_start3A_83] : memref<10000x128xf32, #tpu.memory_space<vmem_shared>> -> memref<125x128xf32, #tpu.memory_space<vmem_shared>>
        tpu.enqueue_dma source(%arg18 : memref<125x128xf32, #tpu.memory_space<vmem>>) target(%dma_start3A_84 : memref<125x128xf32, #tpu.memory_space<vmem_shared>>) target_semaphore(%run_scoped3A : memref<!tpu.dma_semaphore, #tpu.memory_space<semaphore_mem>>)
        %dma_wait3A_85 = arith.constant 0 : i32
        %dma_wait3A_86 = tpu.memref_slice %arg8[%add3A_79, %dma_wait3A_85] : memref<10000x128xf32, #tpu.memory_space<vmem_shared>> -> memref<125x128xf32, #tpu.memory_space<vmem_shared>>
        %dma_wait3A_87 = arith.constant 0 : i32
        %dma_wait3A_88 = tpu.memref_slice %arg8[%add3A_79, %dma_wait3A_87] : memref<10000x128xf32, #tpu.memory_space<vmem_shared>> -> memref<125x128xf32, #tpu.memory_space<vmem_shared>>
        tpu.wait_dma2 semaphore(%run_scoped3A : memref<!tpu.dma_semaphore, #tpu.memory_space<semaphore_mem>>) src(%arg18 : memref<125x128xf32, #tpu.memory_space<vmem>>) dst(%dma_wait3A_88 : memref<125x128xf32, #tpu.memory_space<vmem_shared>>)
        tpu.yield
      }) : () -> ()
      %scan3A_80 = arith.constant 0 : i32
      scf.yield %scan3A_80 : i32
    }
    %scan3A_27 = arith.constant 5 : i32
    %lt3A = arith.constant 5 : i32
    %lt3A_28 = arith.cmpi slt, %arg1, %lt3A : i32
    %convert_element_type3A = arith.extui %lt3A_28 : i1 to i32
    %cond3A = arith.constant 0 : i32
    %cond3A_29 = arith.cmpi ne, %convert_element_type3A, %cond3A : i32
    scf.if %cond3A_29 {
      %mul3A_73 = arith.constant 2000 : i32
      %mul3A_74 = arith.muli %arg1, %mul3A_73 : i32
      "tpu.region"() ({
        %run_scoped3A = tpu.sem_alloc : memref<!tpu.dma_semaphore, #tpu.memory_space<semaphore_mem>>
        %dma_start3A_75 = tpu.memref_slice %arg9[%mul3A_74] : memref<10000xf32, #tpu.memory_space<vmem_shared>> -> memref<2000xf32, #tpu.memory_space<vmem_shared>>
        %dma_start3A_76 = tpu.memref_slice %arg9[%mul3A_74] : memref<10000xf32, #tpu.memory_space<vmem_shared>> -> memref<2000xf32, #tpu.memory_space<vmem_shared>>
        tpu.enqueue_dma source(%arg19 : memref<2000xf32, #tpu.memory_space<vmem>>) target(%dma_start3A_76 : memref<2000xf32, #tpu.memory_space<vmem_shared>>) target_semaphore(%run_scoped3A : memref<!tpu.dma_semaphore, #tpu.memory_space<semaphore_mem>>)
        %dma_wait3A_77 = tpu.memref_slice %arg9[%mul3A_74] : memref<10000xf32, #tpu.memory_space<vmem_shared>> -> memref<2000xf32, #tpu.memory_space<vmem_shared>>
        %dma_wait3A_78 = tpu.memref_slice %arg9[%mul3A_74] : memref<10000xf32, #tpu.memory_space<vmem_shared>> -> memref<2000xf32, #tpu.memory_space<vmem_shared>>
        tpu.wait_dma2 semaphore(%run_scoped3A : memref<!tpu.dma_semaphore, #tpu.memory_space<semaphore_mem>>) src(%arg19 : memref<2000xf32, #tpu.memory_space<vmem>>) dst(%dma_wait3A_78 : memref<2000xf32, #tpu.memory_space<vmem_shared>>)
        tpu.yield
      }) : () -> ()
    } else {
    }
    %ge3A = arith.constant 5 : i32
    %ge3A_30 = arith.cmpi sge, %arg1, %ge3A : i32
    %lt3A_31 = arith.constant 10 : i32
    %lt3A_32 = arith.cmpi slt, %arg1, %lt3A_31 : i32
    %and3A = arith.andi %ge3A_30, %lt3A_32 : i1
    %convert_element_type3A_33 = arith.extui %and3A : i1 to i32
    %cond3A_34 = arith.constant 0 : i32
    %cond3A_35 = arith.cmpi ne, %convert_element_type3A_33, %cond3A_34 : i32
    scf.if %cond3A_35 {
      %sub3A = arith.constant 5 : i32
      %sub3A_73 = arith.subi %arg1, %sub3A : i32
      %mul3A_74 = arith.constant 2000 : i32
      %mul3A_75 = arith.muli %sub3A_73, %mul3A_74 : i32
      "tpu.region"() ({
        %run_scoped3A = tpu.sem_alloc : memref<!tpu.dma_semaphore, #tpu.memory_space<semaphore_mem>>
        %dma_start3A_76 = tpu.memref_slice %arg10[%mul3A_75] : memref<10000xf32, #tpu.memory_space<vmem_shared>> -> memref<2000xf32, #tpu.memory_space<vmem_shared>>
        %dma_start3A_77 = tpu.memref_slice %arg10[%mul3A_75] : memref<10000xf32, #tpu.memory_space<vmem_shared>> -> memref<2000xf32, #tpu.memory_space<vmem_shared>>
        tpu.enqueue_dma source(%arg19 : memref<2000xf32, #tpu.memory_space<vmem>>) target(%dma_start3A_77 : memref<2000xf32, #tpu.memory_space<vmem_shared>>) target_semaphore(%run_scoped3A : memref<!tpu.dma_semaphore, #tpu.memory_space<semaphore_mem>>)
        %dma_wait3A_78 = tpu.memref_slice %arg10[%mul3A_75] : memref<10000xf32, #tpu.memory_space<vmem_shared>> -> memref<2000xf32, #tpu.memory_space<vmem_shared>>
        %dma_wait3A_79 = tpu.memref_slice %arg10[%mul3A_75] : memref<10000xf32, #tpu.memory_space<vmem_shared>> -> memref<2000xf32, #tpu.memory_space<vmem_shared>>
        tpu.wait_dma2 semaphore(%run_scoped3A : memref<!tpu.dma_semaphore, #tpu.memory_space<semaphore_mem>>) src(%arg19 : memref<2000xf32, #tpu.memory_space<vmem>>) dst(%dma_wait3A_79 : memref<2000xf32, #tpu.memory_space<vmem_shared>>)
        tpu.yield
      }) : () -> ()
    } else {
    }
    %barrier3A = arith.constant 0 : index
    tpu.barrier barrier_id(%barrier3A)
    %mul3A_36 = arith.constant 10000 : i32
    %mul3A_37 = arith.muli %add3A, %mul3A_36 : i32
    %add3A_38 = arith.constant 0 : i32
    %add3A_39 = arith.addi %mul3A_37, %add3A_38 : i32
    %dma_start3A = arith.constant 0 : i32
    %dma_start3A_40 = tpu.memref_slice %arg2[%add3A_39, %dma_start3A] : memref<320000x128xf32, #tpu.memory_space<hbm>> -> memref<80x128xf32, #tpu.memory_space<hbm>>
    %dma_start3A_41 = arith.constant 0 : i32
    %dma_start3A_42 = tpu.memref_slice %arg2[%add3A_39, %dma_start3A_41] : memref<320000x128xf32, #tpu.memory_space<hbm>> -> memref<80x128xf32, #tpu.memory_space<hbm>>
    tpu.enqueue_dma source(%dma_start3A_42 : memref<80x128xf32, #tpu.memory_space<hbm>>) target(%arg11 : memref<80x128xf32, #tpu.memory_space<vmem>>) target_semaphore(%arg20 : memref<!tpu.dma_semaphore, #tpu.memory_space<semaphore_mem>>)
    %dma_start3A_43 = tpu.memref_slice %arg3[%add3A_39] : memref<320000xf32, #tpu.memory_space<hbm>> -> memref<80xf32, #tpu.memory_space<hbm>>
    %dma_start3A_44 = tpu.memref_slice %arg3[%add3A_39] : memref<320000xf32, #tpu.memory_space<hbm>> -> memref<80xf32, #tpu.memory_space<hbm>>
    tpu.enqueue_dma source(%dma_start3A_44 : memref<80xf32, #tpu.memory_space<hbm>>) target(%arg13 : memref<80xf32, #tpu.memory_space<vmem>>) target_semaphore(%arg20 : memref<!tpu.dma_semaphore, #tpu.memory_space<semaphore_mem>>)
    %dma_start3A_45 = tpu.memref_slice %arg4[%add3A_39] : memref<320000xi32, #tpu.memory_space<hbm>> -> memref<80xi32, #tpu.memory_space<hbm>>
    %dma_start3A_46 = tpu.memref_slice %arg4[%add3A_39] : memref<320000xi32, #tpu.memory_space<hbm>> -> memref<80xi32, #tpu.memory_space<hbm>>
    tpu.enqueue_dma source(%dma_start3A_46 : memref<80xi32, #tpu.memory_space<hbm>>) target(%arg15 : memref<80xi32, #tpu.memory_space<vmem>>) target_semaphore(%arg20 : memref<!tpu.dma_semaphore, #tpu.memory_space<semaphore_mem>>)
    %scan3A_47 = arith.constant 0 : i32
    %scan3A_48 = arith.constant 0 : i32
    %scan3A_49 = arith.constant 62 : i32
    %scan3A_50 = arith.addi %scan3A_48, %scan3A_49 : i32
    %scan3A_51 = arith.constant 1 : i32
    %scan3A_52 = scf.for %scan3A_73 = %scan3A_48 to %scan3A_50 step %scan3A_51 iter_args(%scan3A_74 = %scan3A_47) -> (i32)  : i32 {
      %mul3A_75 = arith.constant 2 : i32
      %mul3A_76 = arith.muli %mul3A_75, %scan3A_73 : i32
      %add3A_77 = arith.constant 1 : i32
      %add3A_78 = arith.addi %mul3A_76, %add3A_77 : i32
      %mul3A_79 = arith.constant 80 : i32
      %mul3A_80 = arith.muli %add3A_78, %mul3A_79 : i32
      %add3A_81 = arith.addi %mul3A_37, %mul3A_80 : i32
      %dma_start3A_82 = arith.constant 0 : i32
      %dma_start3A_83 = tpu.memref_slice %arg2[%add3A_81, %dma_start3A_82] : memref<320000x128xf32, #tpu.memory_space<hbm>> -> memref<80x128xf32, #tpu.memory_space<hbm>>
      %dma_start3A_84 = arith.constant 0 : i32
      %dma_start3A_85 = tpu.memref_slice %arg2[%add3A_81, %dma_start3A_84] : memref<320000x128xf32, #tpu.memory_space<hbm>> -> memref<80x128xf32, #tpu.memory_space<hbm>>
      tpu.enqueue_dma source(%dma_start3A_85 : memref<80x128xf32, #tpu.memory_space<hbm>>) target(%arg12 : memref<80x128xf32, #tpu.memory_space<vmem>>) target_semaphore(%arg21 : memref<!tpu.dma_semaphore, #tpu.memory_space<semaphore_mem>>)
      %dma_start3A_86 = tpu.memref_slice %arg3[%add3A_81] : memref<320000xf32, #tpu.memory_space<hbm>> -> memref<80xf32, #tpu.memory_space<hbm>>
      %dma_start3A_87 = tpu.memref_slice %arg3[%add3A_81] : memref<320000xf32, #tpu.memory_space<hbm>> -> memref<80xf32, #tpu.memory_space<hbm>>
      tpu.enqueue_dma source(%dma_start3A_87 : memref<80xf32, #tpu.memory_space<hbm>>) target(%arg14 : memref<80xf32, #tpu.memory_space<vmem>>) target_semaphore(%arg21 : memref<!tpu.dma_semaphore, #tpu.memory_space<semaphore_mem>>)
      %dma_start3A_88 = tpu.memref_slice %arg4[%add3A_81] : memref<320000xi32, #tpu.memory_space<hbm>> -> memref<80xi32, #tpu.memory_space<hbm>>
      %dma_start3A_89 = tpu.memref_slice %arg4[%add3A_81] : memref<320000xi32, #tpu.memory_space<hbm>> -> memref<80xi32, #tpu.memory_space<hbm>>
      tpu.enqueue_dma source(%dma_start3A_89 : memref<80xi32, #tpu.memory_space<hbm>>) target(%arg16 : memref<80xi32, #tpu.memory_space<vmem>>) target_semaphore(%arg21 : memref<!tpu.dma_semaphore, #tpu.memory_space<semaphore_mem>>)
      %mul3A_90 = arith.constant 80 : i32
      %mul3A_91 = arith.muli %mul3A_76, %mul3A_90 : i32
      %add3A_92 = arith.addi %mul3A_37, %mul3A_91 : i32
      %dma_wait3A_93 = arith.constant 0 : i32
      %dma_wait3A_94 = tpu.memref_slice %arg2[%add3A_92, %dma_wait3A_93] : memref<320000x128xf32, #tpu.memory_space<hbm>> -> memref<80x128xf32, #tpu.memory_space<hbm>>
      %dma_wait3A_95 = arith.constant 0 : i32
      %dma_wait3A_96 = tpu.memref_slice %arg2[%add3A_92, %dma_wait3A_95] : memref<320000x128xf32, #tpu.memory_space<hbm>> -> memref<80x128xf32, #tpu.memory_space<hbm>>
      tpu.wait_dma2 semaphore(%arg20 : memref<!tpu.dma_semaphore, #tpu.memory_space<semaphore_mem>>) src(%dma_wait3A_96 : memref<80x128xf32, #tpu.memory_space<hbm>>) dst(%arg11 : memref<80x128xf32, #tpu.memory_space<vmem>>)
      %dma_wait3A_97 = tpu.memref_slice %arg3[%add3A_92] : memref<320000xf32, #tpu.memory_space<hbm>> -> memref<80xf32, #tpu.memory_space<hbm>>
      %dma_wait3A_98 = tpu.memref_slice %arg3[%add3A_92] : memref<320000xf32, #tpu.memory_space<hbm>> -> memref<80xf32, #tpu.memory_space<hbm>>
      tpu.wait_dma2 semaphore(%arg20 : memref<!tpu.dma_semaphore, #tpu.memory_space<semaphore_mem>>) src(%dma_wait3A_98 : memref<80xf32, #tpu.memory_space<hbm>>) dst(%arg13 : memref<80xf32, #tpu.memory_space<vmem>>)
      %dma_wait3A_99 = tpu.memref_slice %arg4[%add3A_92] : memref<320000xi32, #tpu.memory_space<hbm>> -> memref<80xi32, #tpu.memory_space<hbm>>
      %dma_wait3A_100 = tpu.memref_slice %arg4[%add3A_92] : memref<320000xi32, #tpu.memory_space<hbm>> -> memref<80xi32, #tpu.memory_space<hbm>>
      tpu.wait_dma2 semaphore(%arg20 : memref<!tpu.dma_semaphore, #tpu.memory_space<semaphore_mem>>) src(%dma_wait3A_100 : memref<80xi32, #tpu.memory_space<hbm>>) dst(%arg15 : memref<80xi32, #tpu.memory_space<vmem>>)
      "tpu.region"() ({
        %run_scoped3A = tpu.sem_alloc : memref<!tpu.dma_semaphore, #tpu.memory_space<semaphore_mem>>
        %dma_start3A_128 = arith.constant 0 : i32
        %dma_start3A_129 = arith.constant 0 : i32
        %dma_start3A_130 = tpu.memref_slice %arg8[%dma_start3A_128, %dma_start3A_129] : memref<10000x128xf32, #tpu.memory_space<vmem_shared>> -> memref<10000x128xf32, #tpu.memory_space<vmem_shared>>
        tpu.enqueue_indirect_dma source(%arg11 : memref<80x128xf32, #tpu.memory_space<vmem>>) target(%dma_start3A_130 : memref<10000x128xf32, #tpu.memory_space<vmem_shared>>) offsets(%arg15 : memref<80xi32, #tpu.memory_space<vmem>>) semaphore(%run_scoped3A : memref<!tpu.dma_semaphore, #tpu.memory_space<semaphore_mem>>) {add = true}
        %dma_wait3A_131 = arith.constant 0 : i32
        %dma_wait3A_132 = arith.constant 0 : i32
        %dma_wait3A_133 = tpu.memref_slice %arg8[%dma_wait3A_131, %dma_wait3A_132] : memref<10000x128xf32, #tpu.memory_space<vmem_shared>> -> memref<10000x128xf32, #tpu.memory_space<vmem_shared>>
        tpu.wait_indirect_dma semaphore(%run_scoped3A : memref<!tpu.dma_semaphore, #tpu.memory_space<semaphore_mem>>) src(%arg11 : memref<80x128xf32, #tpu.memory_space<vmem>>) dst(%dma_wait3A_133 : memref<10000x128xf32, #tpu.memory_space<vmem_shared>>)
        tpu.yield
      }) : () -> ()
      "tpu.region"() ({
        %run_scoped3A = tpu.sem_alloc : memref<!tpu.dma_semaphore, #tpu.memory_space<semaphore_mem>>
        %dma_start3A_128 = arith.constant 0 : i32
        %dma_start3A_129 = tpu.memref_slice %arg9[%dma_start3A_128] : memref<10000xf32, #tpu.memory_space<vmem_shared>> -> memref<10000xf32, #tpu.memory_space<vmem_shared>>
        tpu.enqueue_indirect_dma source(%arg13 : memref<80xf32, #tpu.memory_space<vmem>>) target(%dma_start3A_129 : memref<10000xf32, #tpu.memory_space<vmem_shared>>) offsets(%arg15 : memref<80xi32, #tpu.memory_space<vmem>>) semaphore(%run_scoped3A : memref<!tpu.dma_semaphore, #tpu.memory_space<semaphore_mem>>) {add = true}
        %dma_wait3A_130 = arith.constant 0 : i32
        %dma_wait3A_131 = tpu.memref_slice %arg9[%dma_wait3A_130] : memref<10000xf32, #tpu.memory_space<vmem_shared>> -> memref<10000xf32, #tpu.memory_space<vmem_shared>>
        tpu.wait_indirect_dma semaphore(%run_scoped3A : memref<!tpu.dma_semaphore, #tpu.memory_space<semaphore_mem>>) src(%arg13 : memref<80xf32, #tpu.memory_space<vmem>>) dst(%dma_wait3A_131 : memref<10000xf32, #tpu.memory_space<vmem_shared>>)
        tpu.yield
      }) : () -> ()
      "tpu.region"() ({
        %run_scoped3A = tpu.sem_alloc : memref<!tpu.dma_semaphore, #tpu.memory_space<semaphore_mem>>
        %dma_start3A_128 = arith.constant 0 : i32
        %dma_start3A_129 = tpu.memref_slice %arg10[%dma_start3A_128] : memref<10000xf32, #tpu.memory_space<vmem_shared>> -> memref<10000xf32, #tpu.memory_space<vmem_shared>>
        tpu.enqueue_indirect_dma source(%arg17 : memref<80xf32, #tpu.memory_space<vmem>>) target(%dma_start3A_129 : memref<10000xf32, #tpu.memory_space<vmem_shared>>) offsets(%arg15 : memref<80xi32, #tpu.memory_space<vmem>>) semaphore(%run_scoped3A : memref<!tpu.dma_semaphore, #tpu.memory_space<semaphore_mem>>) {add = true}
        %dma_wait3A_130 = arith.constant 0 : i32
        %dma_wait3A_131 = tpu.memref_slice %arg10[%dma_wait3A_130] : memref<10000xf32, #tpu.memory_space<vmem_shared>> -> memref<10000xf32, #tpu.memory_space<vmem_shared>>
        tpu.wait_indirect_dma semaphore(%run_scoped3A : memref<!tpu.dma_semaphore, #tpu.memory_space<semaphore_mem>>) src(%arg17 : memref<80xf32, #tpu.memory_space<vmem>>) dst(%dma_wait3A_131 : memref<10000xf32, #tpu.memory_space<vmem_shared>>)
        tpu.yield
      }) : () -> ()
      %add3A_101 = arith.constant 2 : i32
      %add3A_102 = arith.addi %mul3A_76, %add3A_101 : i32
      %mul3A_103 = arith.constant 80 : i32
      %mul3A_104 = arith.muli %add3A_102, %mul3A_103 : i32
      %add3A_105 = arith.addi %mul3A_37, %mul3A_104 : i32
      %dma_start3A_106 = arith.constant 0 : i32
      %dma_start3A_107 = tpu.memref_slice %arg2[%add3A_105, %dma_start3A_106] : memref<320000x128xf32, #tpu.memory_space<hbm>> -> memref<80x128xf32, #tpu.memory_space<hbm>>
      %dma_start3A_108 = arith.constant 0 : i32
      %dma_start3A_109 = tpu.memref_slice %arg2[%add3A_105, %dma_start3A_108] : memref<320000x128xf32, #tpu.memory_space<hbm>> -> memref<80x128xf32, #tpu.memory_space<hbm>>
      tpu.enqueue_dma source(%dma_start3A_109 : memref<80x128xf32, #tpu.memory_space<hbm>>) target(%arg11 : memref<80x128xf32, #tpu.memory_space<vmem>>) target_semaphore(%arg20 : memref<!tpu.dma_semaphore, #tpu.memory_space<semaphore_mem>>)
      %dma_start3A_110 = tpu.memref_slice %arg3[%add3A_105] : memref<320000xf32, #tpu.memory_space<hbm>> -> memref<80xf32, #tpu.memory_space<hbm>>
      %dma_start3A_111 = tpu.memref_slice %arg3[%add3A_105] : memref<320000xf32, #tpu.memory_space<hbm>> -> memref<80xf32, #tpu.memory_space<hbm>>
      tpu.enqueue_dma source(%dma_start3A_111 : memref<80xf32, #tpu.memory_space<hbm>>) target(%arg13 : memref<80xf32, #tpu.memory_space<vmem>>) target_semaphore(%arg20 : memref<!tpu.dma_semaphore, #tpu.memory_space<semaphore_mem>>)
      %dma_start3A_112 = tpu.memref_slice %arg4[%add3A_105] : memref<320000xi32, #tpu.memory_space<hbm>> -> memref<80xi32, #tpu.memory_space<hbm>>
      %dma_start3A_113 = tpu.memref_slice %arg4[%add3A_105] : memref<320000xi32, #tpu.memory_space<hbm>> -> memref<80xi32, #tpu.memory_space<hbm>>
      tpu.enqueue_dma source(%dma_start3A_113 : memref<80xi32, #tpu.memory_space<hbm>>) target(%arg15 : memref<80xi32, #tpu.memory_space<vmem>>) target_semaphore(%arg20 : memref<!tpu.dma_semaphore, #tpu.memory_space<semaphore_mem>>)
      %add3A_114 = arith.constant 1 : i32
      %add3A_115 = arith.addi %mul3A_76, %add3A_114 : i32
      %mul3A_116 = arith.constant 80 : i32
      %mul3A_117 = arith.muli %add3A_115, %mul3A_116 : i32
      %add3A_118 = arith.addi %mul3A_37, %mul3A_117 : i32
      %dma_wait3A_119 = arith.constant 0 : i32
      %dma_wait3A_120 = tpu.memref_slice %arg2[%add3A_118, %dma_wait3A_119] : memref<320000x128xf32, #tpu.memory_space<hbm>> -> memref<80x128xf32, #tpu.memory_space<hbm>>
      %dma_wait3A_121 = arith.constant 0 : i32
      %dma_wait3A_122 = tpu.memref_slice %arg2[%add3A_118, %dma_wait3A_121] : memref<320000x128xf32, #tpu.memory_space<hbm>> -> memref<80x128xf32, #tpu.memory_space<hbm>>
      tpu.wait_dma2 semaphore(%arg21 : memref<!tpu.dma_semaphore, #tpu.memory_space<semaphore_mem>>) src(%dma_wait3A_122 : memref<80x128xf32, #tpu.memory_space<hbm>>) dst(%arg12 : memref<80x128xf32, #tpu.memory_space<vmem>>)
      %dma_wait3A_123 = tpu.memref_slice %arg3[%add3A_118] : memref<320000xf32, #tpu.memory_space<hbm>> -> memref<80xf32, #tpu.memory_space<hbm>>
      %dma_wait3A_124 = tpu.memref_slice %arg3[%add3A_118] : memref<320000xf32, #tpu.memory_space<hbm>> -> memref<80xf32, #tpu.memory_space<hbm>>
      tpu.wait_dma2 semaphore(%arg21 : memref<!tpu.dma_semaphore, #tpu.memory_space<semaphore_mem>>) src(%dma_wait3A_124 : memref<80xf32, #tpu.memory_space<hbm>>) dst(%arg14 : memref<80xf32, #tpu.memory_space<vmem>>)
      %dma_wait3A_125 = tpu.memref_slice %arg4[%add3A_118] : memref<320000xi32, #tpu.memory_space<hbm>> -> memref<80xi32, #tpu.memory_space<hbm>>
      %dma_wait3A_126 = tpu.memref_slice %arg4[%add3A_118] : memref<320000xi32, #tpu.memory_space<hbm>> -> memref<80xi32, #tpu.memory_space<hbm>>
      tpu.wait_dma2 semaphore(%arg21 : memref<!tpu.dma_semaphore, #tpu.memory_space<semaphore_mem>>) src(%dma_wait3A_126 : memref<80xi32, #tpu.memory_space<hbm>>) dst(%arg16 : memref<80xi32, #tpu.memory_space<vmem>>)
      "tpu.region"() ({
        %run_scoped3A = tpu.sem_alloc : memref<!tpu.dma_semaphore, #tpu.memory_space<semaphore_mem>>
        %dma_start3A_128 = arith.constant 0 : i32
        %dma_start3A_129 = arith.constant 0 : i32
        %dma_start3A_130 = tpu.memref_slice %arg8[%dma_start3A_128, %dma_start3A_129] : memref<10000x128xf32, #tpu.memory_space<vmem_shared>> -> memref<10000x128xf32, #tpu.memory_space<vmem_shared>>
        tpu.enqueue_indirect_dma source(%arg12 : memref<80x128xf32, #tpu.memory_space<vmem>>) target(%dma_start3A_130 : memref<10000x128xf32, #tpu.memory_space<vmem_shared>>) offsets(%arg16 : memref<80xi32, #tpu.memory_space<vmem>>) semaphore(%run_scoped3A : memref<!tpu.dma_semaphore, #tpu.memory_space<semaphore_mem>>) {add = true}
        %dma_wait3A_131 = arith.constant 0 : i32
        %dma_wait3A_132 = arith.constant 0 : i32
        %dma_wait3A_133 = tpu.memref_slice %arg8[%dma_wait3A_131, %dma_wait3A_132] : memref<10000x128xf32, #tpu.memory_space<vmem_shared>> -> memref<10000x128xf32, #tpu.memory_space<vmem_shared>>
        tpu.wait_indirect_dma semaphore(%run_scoped3A : memref<!tpu.dma_semaphore, #tpu.memory_space<semaphore_mem>>) src(%arg12 : memref<80x128xf32, #tpu.memory_space<vmem>>) dst(%dma_wait3A_133 : memref<10000x128xf32, #tpu.memory_space<vmem_shared>>)
        tpu.yield
      }) : () -> ()
      "tpu.region"() ({
        %run_scoped3A = tpu.sem_alloc : memref<!tpu.dma_semaphore, #tpu.memory_space<semaphore_mem>>
        %dma_start3A_128 = arith.constant 0 : i32
        %dma_start3A_129 = tpu.memref_slice %arg9[%dma_start3A_128] : memref<10000xf32, #tpu.memory_space<vmem_shared>> -> memref<10000xf32, #tpu.memory_space<vmem_shared>>
        tpu.enqueue_indirect_dma source(%arg14 : memref<80xf32, #tpu.memory_space<vmem>>) target(%dma_start3A_129 : memref<10000xf32, #tpu.memory_space<vmem_shared>>) offsets(%arg16 : memref<80xi32, #tpu.memory_space<vmem>>) semaphore(%run_scoped3A : memref<!tpu.dma_semaphore, #tpu.memory_space<semaphore_mem>>) {add = true}
        %dma_wait3A_130 = arith.constant 0 : i32
        %dma_wait3A_131 = tpu.memref_slice %arg9[%dma_wait3A_130] : memref<10000xf32, #tpu.memory_space<vmem_shared>> -> memref<10000xf32, #tpu.memory_space<vmem_shared>>
        tpu.wait_indirect_dma semaphore(%run_scoped3A : memref<!tpu.dma_semaphore, #tpu.memory_space<semaphore_mem>>) src(%arg14 : memref<80xf32, #tpu.memory_space<vmem>>) dst(%dma_wait3A_131 : memref<10000xf32, #tpu.memory_space<vmem_shared>>)
        tpu.yield
      }) : () -> ()
      "tpu.region"() ({
        %run_scoped3A = tpu.sem_alloc : memref<!tpu.dma_semaphore, #tpu.memory_space<semaphore_mem>>
        %dma_start3A_128 = arith.constant 0 : i32
        %dma_start3A_129 = tpu.memref_slice %arg10[%dma_start3A_128] : memref<10000xf32, #tpu.memory_space<vmem_shared>> -> memref<10000xf32, #tpu.memory_space<vmem_shared>>
        tpu.enqueue_indirect_dma source(%arg17 : memref<80xf32, #tpu.memory_space<vmem>>) target(%dma_start3A_129 : memref<10000xf32, #tpu.memory_space<vmem_shared>>) offsets(%arg16 : memref<80xi32, #tpu.memory_space<vmem>>) semaphore(%run_scoped3A : memref<!tpu.dma_semaphore, #tpu.memory_space<semaphore_mem>>) {add = true}
        %dma_wait3A_130 = arith.constant 0 : i32
        %dma_wait3A_131 = tpu.memref_slice %arg10[%dma_wait3A_130] : memref<10000xf32, #tpu.memory_space<vmem_shared>> -> memref<10000xf32, #tpu.memory_space<vmem_shared>>
        tpu.wait_indirect_dma semaphore(%run_scoped3A : memref<!tpu.dma_semaphore, #tpu.memory_space<semaphore_mem>>) src(%arg17 : memref<80xf32, #tpu.memory_space<vmem>>) dst(%dma_wait3A_131 : memref<10000xf32, #tpu.memory_space<vmem_shared>>)
        tpu.yield
      }) : () -> ()
      %scan3A_127 = arith.constant 0 : i32
      scf.yield %scan3A_127 : i32
    }
    %scan3A_53 = arith.constant 62 : i32
    %add3A_54 = arith.constant 9920 : i32
    %add3A_55 = arith.addi %mul3A_37, %add3A_54 : i32
    %dma_wait3A = arith.constant 0 : i32
    %dma_wait3A_56 = tpu.memref_slice %arg2[%add3A_55, %dma_wait3A] : memref<320000x128xf32, #tpu.memory_space<hbm>> -> memref<80x128xf32, #tpu.memory_space<hbm>>
    %dma_wait3A_57 = arith.constant 0 : i32
    %dma_wait3A_58 = tpu.memref_slice %arg2[%add3A_55, %dma_wait3A_57] : memref<320000x128xf32, #tpu.memory_space<hbm>> -> memref<80x128xf32, #tpu.memory_space<hbm>>
    tpu.wait_dma2 semaphore(%arg20 : memref<!tpu.dma_semaphore, #tpu.memory_space<semaphore_mem>>) src(%dma_wait3A_58 : memref<80x128xf32, #tpu.memory_space<hbm>>) dst(%arg11 : memref<80x128xf32, #tpu.memory_space<vmem>>)
    %dma_wait3A_59 = tpu.memref_slice %arg3[%add3A_55] : memref<320000xf32, #tpu.memory_space<hbm>> -> memref<80xf32, #tpu.memory_space<hbm>>
    %dma_wait3A_60 = tpu.memref_slice %arg3[%add3A_55] : memref<320000xf32, #tpu.memory_space<hbm>> -> memref<80xf32, #tpu.memory_space<hbm>>
    tpu.wait_dma2 semaphore(%arg20 : memref<!tpu.dma_semaphore, #tpu.memory_space<semaphore_mem>>) src(%dma_wait3A_60 : memref<80xf32, #tpu.memory_space<hbm>>) dst(%arg13 : memref<80xf32, #tpu.memory_space<vmem>>)
    %dma_wait3A_61 = tpu.memref_slice %arg4[%add3A_55] : memref<320000xi32, #tpu.memory_space<hbm>> -> memref<80xi32, #tpu.memory_space<hbm>>
    %dma_wait3A_62 = tpu.memref_slice %arg4[%add3A_55] : memref<320000xi32, #tpu.memory_space<hbm>> -> memref<80xi32, #tpu.memory_space<hbm>>
    tpu.wait_dma2 semaphore(%arg20 : memref<!tpu.dma_semaphore, #tpu.memory_space<semaphore_mem>>) src(%dma_wait3A_62 : memref<80xi32, #tpu.memory_space<hbm>>) dst(%arg15 : memref<80xi32, #tpu.memory_space<vmem>>)
    "tpu.region"() ({
      %run_scoped3A = tpu.sem_alloc : memref<!tpu.dma_semaphore, #tpu.memory_space<semaphore_mem>>
      %dma_start3A_73 = arith.constant 0 : i32
      %dma_start3A_74 = arith.constant 0 : i32
      %dma_start3A_75 = tpu.memref_slice %arg8[%dma_start3A_73, %dma_start3A_74] : memref<10000x128xf32, #tpu.memory_space<vmem_shared>> -> memref<10000x128xf32, #tpu.memory_space<vmem_shared>>
      tpu.enqueue_indirect_dma source(%arg11 : memref<80x128xf32, #tpu.memory_space<vmem>>) target(%dma_start3A_75 : memref<10000x128xf32, #tpu.memory_space<vmem_shared>>) offsets(%arg15 : memref<80xi32, #tpu.memory_space<vmem>>) semaphore(%run_scoped3A : memref<!tpu.dma_semaphore, #tpu.memory_space<semaphore_mem>>) {add = true}
      %dma_wait3A_76 = arith.constant 0 : i32
      %dma_wait3A_77 = arith.constant 0 : i32
      %dma_wait3A_78 = tpu.memref_slice %arg8[%dma_wait3A_76, %dma_wait3A_77] : memref<10000x128xf32, #tpu.memory_space<vmem_shared>> -> memref<10000x128xf32, #tpu.memory_space<vmem_shared>>
      tpu.wait_indirect_dma semaphore(%run_scoped3A : memref<!tpu.dma_semaphore, #tpu.memory_space<semaphore_mem>>) src(%arg11 : memref<80x128xf32, #tpu.memory_space<vmem>>) dst(%dma_wait3A_78 : memref<10000x128xf32, #tpu.memory_space<vmem_shared>>)
      tpu.yield
    }) : () -> ()
    "tpu.region"() ({
      %run_scoped3A = tpu.sem_alloc : memref<!tpu.dma_semaphore, #tpu.memory_space<semaphore_mem>>
      %dma_start3A_73 = arith.constant 0 : i32
      %dma_start3A_74 = tpu.memref_slice %arg9[%dma_start3A_73] : memref<10000xf32, #tpu.memory_space<vmem_shared>> -> memref<10000xf32, #tpu.memory_space<vmem_shared>>
      tpu.enqueue_indirect_dma source(%arg13 : memref<80xf32, #tpu.memory_space<vmem>>) target(%dma_start3A_74 : memref<10000xf32, #tpu.memory_space<vmem_shared>>) offsets(%arg15 : memref<80xi32, #tpu.memory_space<vmem>>) semaphore(%run_scoped3A : memref<!tpu.dma_semaphore, #tpu.memory_space<semaphore_mem>>) {add = true}
      %dma_wait3A_75 = arith.constant 0 : i32
      %dma_wait3A_76 = tpu.memref_slice %arg9[%dma_wait3A_75] : memref<10000xf32, #tpu.memory_space<vmem_shared>> -> memref<10000xf32, #tpu.memory_space<vmem_shared>>
      tpu.wait_indirect_dma semaphore(%run_scoped3A : memref<!tpu.dma_semaphore, #tpu.memory_space<semaphore_mem>>) src(%arg13 : memref<80xf32, #tpu.memory_space<vmem>>) dst(%dma_wait3A_76 : memref<10000xf32, #tpu.memory_space<vmem_shared>>)
      tpu.yield
    }) : () -> ()
    "tpu.region"() ({
      %run_scoped3A = tpu.sem_alloc : memref<!tpu.dma_semaphore, #tpu.memory_space<semaphore_mem>>
      %dma_start3A_73 = arith.constant 0 : i32
      %dma_start3A_74 = tpu.memref_slice %arg10[%dma_start3A_73] : memref<10000xf32, #tpu.memory_space<vmem_shared>> -> memref<10000xf32, #tpu.memory_space<vmem_shared>>
      tpu.enqueue_indirect_dma source(%arg17 : memref<80xf32, #tpu.memory_space<vmem>>) target(%dma_start3A_74 : memref<10000xf32, #tpu.memory_space<vmem_shared>>) offsets(%arg15 : memref<80xi32, #tpu.memory_space<vmem>>) semaphore(%run_scoped3A : memref<!tpu.dma_semaphore, #tpu.memory_space<semaphore_mem>>) {add = true}
      %dma_wait3A_75 = arith.constant 0 : i32
      %dma_wait3A_76 = tpu.memref_slice %arg10[%dma_wait3A_75] : memref<10000xf32, #tpu.memory_space<vmem_shared>> -> memref<10000xf32, #tpu.memory_space<vmem_shared>>
      tpu.wait_indirect_dma semaphore(%run_scoped3A : memref<!tpu.dma_semaphore, #tpu.memory_space<semaphore_mem>>) src(%arg17 : memref<80xf32, #tpu.memory_space<vmem>>) dst(%dma_wait3A_76 : memref<10000xf32, #tpu.memory_space<vmem_shared>>)
      tpu.yield
    }) : () -> ()
    %barrier3A_63 = arith.constant 0 : index
    tpu.barrier barrier_id(%barrier3A_63)
    %lt3A_64 = arith.constant 10 : i32
    %lt3A_65 = arith.cmpi slt, %arg1, %lt3A_64 : i32
    %convert_element_type3A_66 = arith.extui %lt3A_65 : i1 to i32
    %cond3A_67 = arith.constant 0 : i32
    %cond3A_68 = arith.cmpi ne, %convert_element_type3A_66, %cond3A_67 : i32
    scf.if %cond3A_68 {
      %mul3A_73 = arith.constant 1000 : i32
      %mul3A_74 = arith.muli %arg1, %mul3A_73 : i32
      "tpu.region"() ({
        %run_scoped3A = tpu.sem_alloc : memref<!tpu.dma_semaphore, #tpu.memory_space<semaphore_mem>>
        %dma_start3A_75 = arith.constant 0 : i32
        %dma_start3A_76 = tpu.memref_slice %arg5[%arg0, %mul3A_74, %dma_start3A_75] : memref<2x10000x128xf32, #tpu.memory_space<hbm>> -> memref<1x1000x128xf32, #tpu.memory_space<hbm>>
        %dma_start3A_77 = tpu.memref_squeeze %dma_start3A_76 : memref<1x1000x128xf32, #tpu.memory_space<hbm>> -> memref<1000x128xf32, #tpu.memory_space<hbm>>
        %dma_start3A_78 = arith.constant 0 : i32
        %dma_start3A_79 = tpu.memref_slice %arg8[%mul3A_74, %dma_start3A_78] : memref<10000x128xf32, #tpu.memory_space<vmem_shared>> -> memref<1000x128xf32, #tpu.memory_space<vmem_shared>>
        tpu.enqueue_dma source(%dma_start3A_79 : memref<1000x128xf32, #tpu.memory_space<vmem_shared>>) target(%dma_start3A_77 : memref<1000x128xf32, #tpu.memory_space<hbm>>) target_semaphore(%run_scoped3A : memref<!tpu.dma_semaphore, #tpu.memory_space<semaphore_mem>>)
        %dma_wait3A_80 = arith.constant 0 : i32
        %dma_wait3A_81 = tpu.memref_slice %arg5[%arg0, %mul3A_74, %dma_wait3A_80] : memref<2x10000x128xf32, #tpu.memory_space<hbm>> -> memref<1x1000x128xf32, #tpu.memory_space<hbm>>
        %dma_wait3A_82 = tpu.memref_squeeze %dma_wait3A_81 : memref<1x1000x128xf32, #tpu.memory_space<hbm>> -> memref<1000x128xf32, #tpu.memory_space<hbm>>
        %dma_wait3A_83 = arith.constant 0 : i32
        %dma_wait3A_84 = tpu.memref_slice %arg8[%mul3A_74, %dma_wait3A_83] : memref<10000x128xf32, #tpu.memory_space<vmem_shared>> -> memref<1000x128xf32, #tpu.memory_space<vmem_shared>>
        tpu.wait_dma2 semaphore(%run_scoped3A : memref<!tpu.dma_semaphore, #tpu.memory_space<semaphore_mem>>) src(%dma_wait3A_84 : memref<1000x128xf32, #tpu.memory_space<vmem_shared>>) dst(%dma_wait3A_82 : memref<1000x128xf32, #tpu.memory_space<hbm>>)
        tpu.yield
      }) : () -> ()
    } else {
    }
    %eq3A = arith.constant 0 : i32
    %eq3A_69 = arith.cmpi eq, %arg1, %eq3A : i32
    %convert_element_type3A_70 = arith.extui %eq3A_69 : i1 to i32
    %cond3A_71 = arith.constant 0 : i32
    %cond3A_72 = arith.cmpi ne, %convert_element_type3A_70, %cond3A_71 : i32
    scf.if %cond3A_72 {
      "tpu.region"() ({
        %run_scoped3A = tpu.sem_alloc : memref<!tpu.dma_semaphore, #tpu.memory_space<semaphore_mem>>
        %dma_start3A_73 = arith.constant 0 : i32
        %dma_start3A_74 = tpu.memref_slice %arg6[%arg0, %dma_start3A_73] : memref<2x10000xf32, #tpu.memory_space<hbm>> -> memref<1x10000xf32, #tpu.memory_space<hbm>>
        %dma_start3A_75 = tpu.memref_squeeze %dma_start3A_74 : memref<1x10000xf32, #tpu.memory_space<hbm>> -> memref<10000xf32, #tpu.memory_space<hbm>>
        tpu.enqueue_dma source(%arg9 : memref<10000xf32, #tpu.memory_space<vmem_shared>>) target(%dma_start3A_75 : memref<10000xf32, #tpu.memory_space<hbm>>) target_semaphore(%run_scoped3A : memref<!tpu.dma_semaphore, #tpu.memory_space<semaphore_mem>>)
        %dma_wait3A_76 = arith.constant 0 : i32
        %dma_wait3A_77 = tpu.memref_slice %arg6[%arg0, %dma_wait3A_76] : memref<2x10000xf32, #tpu.memory_space<hbm>> -> memref<1x10000xf32, #tpu.memory_space<hbm>>
        %dma_wait3A_78 = tpu.memref_squeeze %dma_wait3A_77 : memref<1x10000xf32, #tpu.memory_space<hbm>> -> memref<10000xf32, #tpu.memory_space<hbm>>
        tpu.wait_dma2 semaphore(%run_scoped3A : memref<!tpu.dma_semaphore, #tpu.memory_space<semaphore_mem>>) src(%arg9 : memref<10000xf32, #tpu.memory_space<vmem_shared>>) dst(%dma_wait3A_78 : memref<10000xf32, #tpu.memory_space<hbm>>)
        tpu.yield
      }) : () -> ()
      "tpu.region"() ({
        %run_scoped3A = tpu.sem_alloc : memref<!tpu.dma_semaphore, #tpu.memory_space<semaphore_mem>>
        %dma_start3A_73 = arith.constant 0 : i32
        %dma_start3A_74 = tpu.memref_slice %arg7[%arg0, %dma_start3A_73] : memref<2x10000xf32, #tpu.memory_space<hbm>> -> memref<1x10000xf32, #tpu.memory_space<hbm>>
        %dma_start3A_75 = tpu.memref_squeeze %dma_start3A_74 : memref<1x10000xf32, #tpu.memory_space<hbm>> -> memref<10000xf32, #tpu.memory_space<hbm>>
        tpu.enqueue_dma source(%arg10 : memref<10000xf32, #tpu.memory_space<vmem_shared>>) target(%dma_start3A_75 : memref<10000xf32, #tpu.memory_space<hbm>>) target_semaphore(%run_scoped3A : memref<!tpu.dma_semaphore, #tpu.memory_space<semaphore_mem>>)
        %dma_wait3A_76 = arith.constant 0 : i32
        %dma_wait3A_77 = tpu.memref_slice %arg7[%arg0, %dma_wait3A_76] : memref<2x10000xf32, #tpu.memory_space<hbm>> -> memref<1x10000xf32, #tpu.memory_space<hbm>>
        %dma_wait3A_78 = tpu.memref_squeeze %dma_wait3A_77 : memref<1x10000xf32, #tpu.memory_space<hbm>> -> memref<10000xf32, #tpu.memory_space<hbm>>
        tpu.wait_dma2 semaphore(%run_scoped3A : memref<!tpu.dma_semaphore, #tpu.memory_space<semaphore_mem>>) src(%arg10 : memref<10000xf32, #tpu.memory_space<vmem_shared>>) dst(%dma_wait3A_78 : memref<10000xf32, #tpu.memory_space<hbm>>)
        tpu.yield
      }) : () -> ()
    } else {
    }
    return
  }
}

module attributes {stable_mosaic.version = 14 : i64} {
  func.func @_score_body(%arg0: i32, %arg1: memref<2000x128xf32, #tpu.memory_space<vmem>>, %arg2: memref<128x128xf32, #tpu.memory_space<vmem>>, %arg3: memref<1x128xf32, #tpu.memory_space<vmem>>, %arg4: memref<128x1xf32, #tpu.memory_space<vmem>>, %arg5: memref<1x1xf32, #tpu.memory_space<vmem>>, %arg6: memref<2000x128xf32, #tpu.memory_space<vmem>>, %arg7: memref<2000x1xf32, #tpu.memory_space<vmem>>) attributes {dimension_semantics = [#tpu.dimension_semantics<arbitrary>], iteration_bounds = array<i64: 160>, scalar_prefetch = 0 : i64, scratch_operands = 0 : i64, tpu.core_type = #tpu.core_type<tc>, window_params = [{transform_indices = @transform_0, window_bounds = array<i64: 2000, 128>}, {pipeline_mode = #tpu.pipeline_mode<synchronous>, transform_indices = @transform_1, window_bounds = array<i64: 128, 128>}, {pipeline_mode = #tpu.pipeline_mode<synchronous>, transform_indices = @transform_2, window_bounds = array<i64: 1, 128>}, {pipeline_mode = #tpu.pipeline_mode<synchronous>, transform_indices = @transform_3, window_bounds = array<i64: 128, 1>}, {pipeline_mode = #tpu.pipeline_mode<synchronous>, transform_indices = @transform_4, window_bounds = array<i64: 1, 1>}, {transform_indices = @transform_5, window_bounds = array<i64: 2000, 128>}, {transform_indices = @transform_6, window_bounds = array<i64: 2000, 1>}]} {
    %get3A = arith.constant 0 : index
    %get3A_0 = arith.constant 0 : index
    %get3A_1 = vector.load %arg1[%get3A, %get3A_0] : memref<2000x128xf32, #tpu.memory_space<vmem>>, vector<2000x128xf32>
    %get3A_2 = arith.constant 0 : index
    %get3A_3 = arith.constant 0 : index
    %get3A_4 = vector.load %arg2[%get3A_2, %get3A_3] : memref<128x128xf32, #tpu.memory_space<vmem>>, vector<128x128xf32>
    %dot_general3A = arith.constant dense<0.000000e+00> : vector<2000x128xf32>
    %dot_general3A_5 = tpu.matmul %get3A_1, %get3A_4, %dot_general3A {dimension_numbers = #tpu.dot_dimension_numbers<[1], [0], [0], [1], [0, 0, 1, 1], [], []>, transpose_lhs_hint = false} : vector<2000x128xf32>, vector<128x128xf32>, vector<2000x128xf32> -> vector<2000x128xf32>
    %get3A_6 = arith.constant 0 : index
    %get3A_7 = arith.constant 0 : index
    %get3A_8 = vector.load %arg3[%get3A_6, %get3A_7] : memref<1x128xf32, #tpu.memory_space<vmem>>, vector<1x128xf32>
    %add3A = vector.broadcast %get3A_8 : vector<1x128xf32> to vector<2000x128xf32>
    %add3A_9 = arith.addf %dot_general3A_5, %add3A : vector<2000x128xf32>
    %tanh3A = math.tanh %add3A_9 : vector<2000x128xf32>
    %get3A_10 = arith.constant 0 : index
    %get3A_11 = arith.constant 0 : index
    %get3A_12 = vector.load %arg4[%get3A_10, %get3A_11] : memref<128x1xf32, #tpu.memory_space<vmem>>, vector<128x1xf32>
    %dot_general3A_13 = arith.constant dense<0.000000e+00> : vector<2000x1xf32>
    %dot_general3A_14 = tpu.matmul %tanh3A, %get3A_12, %dot_general3A_13 {dimension_numbers = #tpu.dot_dimension_numbers<[1], [0], [0], [1], [0, 0, 1, 1], [], []>, transpose_lhs_hint = false} : vector<2000x128xf32>, vector<128x1xf32>, vector<2000x1xf32> -> vector<2000x1xf32>
    %get3A_15 = arith.constant 0 : index
    %get3A_16 = arith.constant 0 : index
    %get3A_17 = vector.load %arg5[%get3A_15, %get3A_16] : memref<1x1xf32, #tpu.memory_space<vmem>>, vector<1x1xf32>
    %get3A_18 = vector.extract %get3A_17[0, 0] : f32 from vector<1x1xf32>
    %add3A_19 = vector.broadcast %get3A_18 : f32 to vector<2000x1xf32>
    %add3A_20 = arith.addf %dot_general3A_14, %add3A_19 : vector<2000x1xf32>
    %get3A_21 = arith.constant 0 : index
    %get3A_22 = arith.constant 0 : index
    %get3A_23 = vector.load %arg4[%get3A_21, %get3A_22] : memref<128x1xf32, #tpu.memory_space<vmem>>, vector<128x1xf32>
    %abs3A = math.absf %get3A_23 : vector<128x1xf32>
    %reduce_sum3A = vector.shape_cast %abs3A : vector<128x1xf32> to vector<1x128x1xf32>
    %reduce_sum3A_24 = arith.constant dense<0.000000e+00> : vector<1xf32>
    %reduce_sum3A_25 = vector.multi_reduction <add>, %reduce_sum3A, %reduce_sum3A_24 [1, 2] : vector<1x128x1xf32> to vector<1xf32>
    %reduce_sum3A_26 = vector.shape_cast %reduce_sum3A_25 : vector<1xf32> to vector<1x1x1xf32>
    %reduce_sum3A_27 = vector.extract %reduce_sum3A_26[0, 0, 0] : f32 from vector<1x1x1xf32>
    %get3A_28 = arith.constant 0 : index
    %get3A_29 = arith.constant 0 : index
    %get3A_30 = vector.load %arg5[%get3A_28, %get3A_29] : memref<1x1xf32, #tpu.memory_space<vmem>>, vector<1x1xf32>
    %get3A_31 = vector.extract %get3A_30[0, 0] : f32 from vector<1x1xf32>
    %abs3A_32 = math.absf %get3A_31 : f32
    %add3A_33 = arith.addf %reduce_sum3A_27, %abs3A_32 : f32
    %sub3A = vector.broadcast %add3A_33 : f32 to vector<2000x1xf32>
    %sub3A_34 = arith.subf %add3A_20, %sub3A : vector<2000x1xf32>
    %exp3A = math.exp %sub3A_34 : vector<2000x1xf32>
    %swap3A = arith.constant 0 : index
    %swap3A_35 = arith.constant 0 : index
    %swap3A_36 = vector.load %arg7[%swap3A, %swap3A_35] : memref<2000x1xf32, #tpu.memory_space<vmem>>, vector<2000x1xf32>
    tpu.vector_store %arg7[%swap3A, %swap3A_35], %exp3A {strides = array<i32>} : memref<2000x1xf32, #tpu.memory_space<vmem>>, vector<2000x1xf32>,
    %mul3A = vector.broadcast %exp3A : vector<2000x1xf32> to vector<2000x128xf32>
    %mul3A_37 = arith.mulf %get3A_1, %mul3A : vector<2000x128xf32>
    %swap3A_38 = arith.constant 0 : index
    %swap3A_39 = arith.constant 0 : index
    %swap3A_40 = vector.load %arg6[%swap3A_38, %swap3A_39] : memref<2000x128xf32, #tpu.memory_space<vmem>>, vector<2000x128xf32>
    tpu.vector_store %arg6[%swap3A_38, %swap3A_39], %mul3A_37 {strides = array<i32>} : memref<2000x128xf32, #tpu.memory_space<vmem>>, vector<2000x128xf32>,
    return
  }
  func.func @transform_0(%arg0: i32) -> (i32, i32) {
    %c0_i32 = arith.constant 0 : i32
    %c0_i32_0 = arith.constant 0 : i32
    return %arg0, %c0_i32 : i32, i32
  }
  func.func @transform_1(%arg0: i32) -> (i32, i32) {
    %c0_i32 = arith.constant 0 : i32
    %c0_i32_0 = arith.constant 0 : i32
    %c0_i32_1 = arith.constant 0 : i32
    return %c0_i32, %c0_i32_0 : i32, i32
  }
  func.func @transform_2(%arg0: i32) -> (i32, i32) {
    %c0_i32 = arith.constant 0 : i32
    %c0_i32_0 = arith.constant 0 : i32
    %c0_i32_1 = arith.constant 0 : i32
    return %c0_i32, %c0_i32_0 : i32, i32
  }
  func.func @transform_3(%arg0: i32) -> (i32, i32) {
    %c0_i32 = arith.constant 0 : i32
    %c0_i32_0 = arith.constant 0 : i32
    %c0_i32_1 = arith.constant 0 : i32
    return %c0_i32, %c0_i32_0 : i32, i32
  }
  func.func @transform_4(%arg0: i32) -> (i32, i32) {
    %c0_i32 = arith.constant 0 : i32
    %c0_i32_0 = arith.constant 0 : i32
    %c0_i32_1 = arith.constant 0 : i32
    return %c0_i32, %c0_i32_0 : i32, i32
  }
  func.func @transform_5(%arg0: i32) -> (i32, i32) {
    %c0_i32 = arith.constant 0 : i32
    %c0_i32_0 = arith.constant 0 : i32
    return %arg0, %c0_i32 : i32, i32
  }
  func.func @transform_6(%arg0: i32) -> (i32, i32) {
    %c0_i32 = arith.constant 0 : i32
    %c0_i32_0 = arith.constant 0 : i32
    return %arg0, %c0_i32 : i32, i32
  }
}

module attributes {stable_mosaic.version = 14 : i64} {
  func.func @_final_body(%arg0: i32, %arg1: memref<2x1000x128xf32, #tpu.memory_space<vmem>>, %arg2: memref<2x1000x1xf32, #tpu.memory_space<vmem>>, %arg3: memref<2x1000x1xf32, #tpu.memory_space<vmem>>, %arg4: memref<1000x128xf32, #tpu.memory_space<vmem>>) attributes {dimension_semantics = [#tpu.dimension_semantics<arbitrary>], iteration_bounds = array<i64: 10>, scalar_prefetch = 0 : i64, scratch_operands = 0 : i64, tpu.core_type = #tpu.core_type<tc>, window_params = [{transform_indices = @transform_0, window_bounds = array<i64: 2, 1000, 128>}, {transform_indices = @transform_1, window_bounds = array<i64: 2, 1000, 1>}, {transform_indices = @transform_2, window_bounds = array<i64: 2, 1000, 1>}, {transform_indices = @transform_3, window_bounds = array<i64: 1000, 128>}]} {
    %get3A = arith.constant 0 : index
    %get3A_0 = arith.constant 0 : index
    %get3A_1 = arith.constant 0 : index
    %get3A_2 = vector.load %arg1[%get3A, %get3A_0, %get3A_1] : memref<2x1000x128xf32, #tpu.memory_space<vmem>>, vector<1x1000x128xf32>
    %get3A_3 = vector.shape_cast %get3A_2 : vector<1x1000x128xf32> to vector<1000x128xf32>
    %get3A_4 = arith.constant 1 : index
    %get3A_5 = arith.constant 0 : index
    %get3A_6 = arith.constant 0 : index
    %get3A_7 = vector.load %arg1[%get3A_4, %get3A_5, %get3A_6] : memref<2x1000x128xf32, #tpu.memory_space<vmem>>, vector<1x1000x128xf32>
    %get3A_8 = vector.shape_cast %get3A_7 : vector<1x1000x128xf32> to vector<1000x128xf32>
    %add3A = arith.addf %get3A_3, %get3A_8 : vector<1000x128xf32>
    %get3A_9 = arith.constant 0 : index
    %get3A_10 = arith.constant 0 : index
    %get3A_11 = arith.constant 0 : index
    %get3A_12 = vector.load %arg2[%get3A_9, %get3A_10, %get3A_11] : memref<2x1000x1xf32, #tpu.memory_space<vmem>>, vector<1x1000x1xf32>
    %get3A_13 = vector.shape_cast %get3A_12 : vector<1x1000x1xf32> to vector<1000x1xf32>
    %get3A_14 = arith.constant 1 : index
    %get3A_15 = arith.constant 0 : index
    %get3A_16 = arith.constant 0 : index
    %get3A_17 = vector.load %arg2[%get3A_14, %get3A_15, %get3A_16] : memref<2x1000x1xf32, #tpu.memory_space<vmem>>, vector<1x1000x1xf32>
    %get3A_18 = vector.shape_cast %get3A_17 : vector<1x1000x1xf32> to vector<1000x1xf32>
    %add3A_19 = arith.addf %get3A_13, %get3A_18 : vector<1000x1xf32>
    %get3A_20 = arith.constant 0 : index
    %get3A_21 = arith.constant 0 : index
    %get3A_22 = arith.constant 0 : index
    %get3A_23 = vector.load %arg3[%get3A_20, %get3A_21, %get3A_22] : memref<2x1000x1xf32, #tpu.memory_space<vmem>>, vector<1x1000x1xf32>
    %get3A_24 = vector.shape_cast %get3A_23 : vector<1x1000x1xf32> to vector<1000x1xf32>
    %get3A_25 = arith.constant 1 : index
    %get3A_26 = arith.constant 0 : index
    %get3A_27 = arith.constant 0 : index
    %get3A_28 = vector.load %arg3[%get3A_25, %get3A_26, %get3A_27] : memref<2x1000x1xf32, #tpu.memory_space<vmem>>, vector<1x1000x1xf32>
    %get3A_29 = vector.shape_cast %get3A_28 : vector<1x1000x1xf32> to vector<1000x1xf32>
    %add3A_30 = arith.addf %get3A_24, %get3A_29 : vector<1000x1xf32>
    %max3A = arith.constant 1.000000e+00 : f32
    %max3A_31 = vector.broadcast %max3A : f32 to vector<1000x1xf32>
    %max3A_32 = arith.maximumf %add3A_30, %max3A_31 : vector<1000x1xf32>
    %mul3A = arith.mulf %add3A_19, %max3A_32 : vector<1000x1xf32>
    %gt3A = arith.constant 0.000000e+00 : f32
    %gt3A_33 = vector.broadcast %gt3A : f32 to vector<1000x1xf32>
    %gt3A_34 = arith.cmpf ogt, %mul3A, %gt3A_33 : vector<1000x1xf32>
    %div3A = vector.broadcast %mul3A : vector<1000x1xf32> to vector<1000x128xf32>
    %div3A_35 = arith.divf %add3A, %div3A : vector<1000x128xf32>
    %jit3A = arith.constant 0.000000e+00 : f32
    %broadcast_in_dim3A = vector.shape_cast %gt3A_34 : vector<1000x1xi1> to vector<1000x1xi1>
    %broadcast_in_dim3A_36 = vector.broadcast %broadcast_in_dim3A : vector<1000x1xi1> to vector<1000x128xi1>
    %broadcast_in_dim3A_37 = vector.broadcast %jit3A : f32 to vector<1000x128xf32>
    %select_n3A = arith.select %broadcast_in_dim3A_36, %div3A_35, %broadcast_in_dim3A_37 : vector<1000x128xi1>, vector<1000x128xf32>
    %swap3A = arith.constant 0 : index
    %swap3A_38 = arith.constant 0 : index
    %swap3A_39 = vector.load %arg4[%swap3A, %swap3A_38] : memref<1000x128xf32, #tpu.memory_space<vmem>>, vector<1000x128xf32>
    tpu.vector_store %arg4[%swap3A, %swap3A_38], %select_n3A {strides = array<i32>} : memref<1000x128xf32, #tpu.memory_space<vmem>>, vector<1000x128xf32>,
    return
  }
  func.func @transform_0(%arg0: i32) -> (i32, i32, i32) {
    %c0_i32 = arith.constant 0 : i32
    %c0_i32_0 = arith.constant 0 : i32
    %c0_i32_1 = arith.constant 0 : i32
    return %c0_i32, %arg0, %c0_i32_0 : i32, i32, i32
  }
  func.func @transform_1(%arg0: i32) -> (i32, i32, i32) {
    %c0_i32 = arith.constant 0 : i32
    %c0_i32_0 = arith.constant 0 : i32
    %c0_i32_1 = arith.constant 0 : i32
    return %c0_i32, %arg0, %c0_i32_0 : i32, i32, i32
  }
  func.func @transform_2(%arg0: i32) -> (i32, i32, i32) {
    %c0_i32 = arith.constant 0 : i32
    %c0_i32_0 = arith.constant 0 : i32
    %c0_i32_1 = arith.constant 0 : i32
    return %c0_i32, %arg0, %c0_i32_0 : i32, i32, i32
  }
  func.func @transform_3(%arg0: i32) -> (i32, i32) {
    %c0_i32 = arith.constant 0 : i32
    %c0_i32_0 = arith.constant 0 : i32
    return %arg0, %c0_i32 : i32, i32
  }
}

</mosaic_0001>

<sc_bundles>
// kernel: kernel.5.cloned.1.call-start
scs
__scs_entry_jumppad:
0x0: {  	(pc) =	sbr.rel $0x88, $3  }
0x1: {  	(tag) =	ssettag $0x0;
	lr =	simm.s32 $0x1  }
0x2: {  	[smem:$0x3F9B] =	sst lr;
	_ =	strace $0xD0000000  }
0x3: {  	_ = 	snop  }
0x4: {  	_ = 	snop  }
0x5: {  	_ = 	snop  }
0x6: {  	_ = 	snop  }
0x7: {  	_ = 	snop  }
__scs_overlays_trampoline_lowered:
0x8: {  	[smem:$0x3FAA] =	sst s0  }
0x9: {  	[smem:$0x3FAB] =	sst s1  }
0xa: {  	[smem:$0x3FAC] =	sst s2  }
0xb: {  	[smem:$0x3FAD] =	sst s3  }
0xc: {  	[smem:$0x3FAE] =	sst s4  }
0xd: {  	[smem:$0x3FAF] =	sst s5  }
0xe: {  	[smem:$0x3FB0] =	sst s6  }
0xf: {  	[smem:$0x3FB1] =	sst s7  }
0x10: {  	[smem:$0x3FB2] =	sst s8  }
0x11: {  	[smem:$0x3FB3] =	sst s9;
	s0 =	simm.s32 @!p0 $0x0  }
0x12: {  	s1 =	sld [smem:$0x3F99];
	s0 =	simm.s32 @p0 $0x1  }
0x13: {  	[smem:$0x3FB4] =	sst s0;
	s0 =	simm.s32 @!p1 $0x0  }
0x14: {  	s2 =	sld [smem:$0x3F98];
	s0 =	simm.s32 @p1 $0x1  }
0x15: {  	[smem:$0x3FB5] =	sst s0;
	s0 =	simm.s32 @!p2 $0x0  }
0x16: {  	s3 =	sld [smem:$0x3FDB];
	s0 =	simm.s32 @p2 $0x1  }
0x17: {  	s4 =	simm.s32 $0x1BF5;
	[smem:$0x3FB7] =	sst s0  }
0x18: {  	s0 =	sld [smem:$0x3F9A];
	_ =	swait.ge [sflag:s4], $0x0  }
0x19: {  	s7 =	sld [smem:$0x3F9B]  }
0x1a: {  	s8 =	sadd.s32 $0xFFFFE003, lr  }
0x1b: {  	s9 =	sadd.s32 $0xFFFFFEF7, lr;
	s5 =	simm.s32 $0xFFFFFFFF;
	p2 =	slt.u32 s8, $0xFFFFF086  }
0x1c: {  	p1 =	slt.u32 s9, $0xF7A;
	s5 =	simm.s32 @!p2 $0x0  }
0x1d: {  	s5 =	simm.s32 @p1 $0x1;
	p0 =	seq.s32 s7, s2  }
0x1e: {  	s7 =	smul.u32 @!p0 $0xF7A, s2;
	p2 =	seq.s32 @!p0 s5, $0x0  }
0x1f: {  	s9 =	smul.u32 $0xF7A, s1;
	s8 =	simm.s32 @!p0 $0x1BF5;
	p2 =	por !p2, p0  }
0x20: {  	[sflag:s8] =	ssyncset.s32 @!p0 $0xFFFFF086;
	s6 =	sadd.s32 @!p0 s3, s7;
	s7 =	simm.s32 @!p0 $0x108  }
0x21: {  	s3 =	sadd.s32 s3, s9;
	s6 =	sadd.s32 @!p0 $0x88, s6;
	s7 =	simm.s32 @p2 $0x1082  }
0x22: {  	[simem:s7], [sflag:s8] =	dma.local @!p0 [hbm:s6], $0xF7A  }
0x23: {  	s9 =	sor.u32 $0xD0000000, s2;
	s6 =	simm.s32 $0x108;
	_ =	swait.ge @!p0 [sflag:s8], $0x0  }
0x24: {  	s3 =	sadd.s32 $0x88, s3;
	s6 =	simm.s32 @!p1 $0x1082;
	[sflag:s4] =	ssyncset.s32 $0xFFFFF086  }
0x25: {  	[simem:s6], [sflag:s4] =	dma.local [hbm:s3], $0xF7A  }
0x26: {  	[smem:$0x3F9B] =	sst s1;
	(tag) =	ssettag s2;
	_ =	strace s9  }
0x27: {  	s1 =	sld [smem:$0x3FAB]  }
0x28: {  	s2 =	sld [smem:$0x3FAC]  }
0x29: {  	s4 =	sld [smem:$0x3FAE]  }
0x2a: {  	p0 =	seq.s32 s5, $0x0;
	s5 =	sld [smem:$0x3FAF]  }
0x2b: {  	s6 =	sld [smem:$0x3FB0]  }
0x2c: {  	s7 =	sld [smem:$0x3FB1]  }
0x2d: {  	s3 =	simm.s32 $0x108;
	s8 =	sld [smem:$0x3FB2]  }
0x2e: {  	s3 =	simm.s32 @!p0 $0x1082;
	s9 =	sld [smem:$0x3FB3]  }
0x2f: {  	lr =	sadd.s32 s0, s3;
	s0 =	sld [smem:$0x3FAA]  }
0x30: {  	s3 =	sld [smem:$0x3FAD]  }
0x31: {  	[smem:$0x3FB6] =	sst s10  }
0x32: {  	s10 =	sld [smem:$0x3FB4];
	_ =	sdelay $0x3  }
0x33: {  	p0 =	seq.s32 s10, $0x1;
	s10 =	sld [smem:$0x3FB6];
	_ =	sdelay $0x3  }
0x34: {  	[smem:$0x3FB6] =	sst s10  }
0x35: {  	s10 =	sld [smem:$0x3FB5];
	_ =	sdelay $0x3  }
0x36: {  	p1 =	seq.s32 s10, $0x1;
	s10 =	sld [smem:$0x3FB6];
	_ =	sdelay $0x3  }
0x37: {  	[smem:$0x3FB6] =	sst s10  }
0x38: {  	s10 =	sld [smem:$0x3FB7]  }
0x39: {  	_ = 	snop;
	(pc) =	sbr.ind lr, $3  }
0x3a: {  	_ = 	snop  }
0x3b: {  	_ = 	snop  }
0x3c: {  	p2 =	seq.s32 s10, $0x1;
	s10 =	sld [smem:$0x3FB6]  }
0x3d: {  	_ =	shalt  }
0x3e: {  	_ =	shalt  }
0x3f: {  	_ =	shalt  }
0x40: {  	_ =	shalt  }
0x41: {  	_ =	shalt  }
0x42: {  	_ =	shalt  }
0x43: {  	_ =	shalt  }
0x44: {  	_ =	shalt  }
0x45: {  	_ =	shalt  }
0x46: {  	_ =	shalt  }
0x47: {  	_ =	shalt  }
0x48: {  	_ =	shalt  }
0x49: {  	_ =	shalt  }
0x4a: {  	_ =	shalt  }
0x4b: {  	_ =	shalt  }
0x4c: {  	_ =	shalt  }
0x4d: {  	_ =	shalt  }
0x4e: {  	_ =	shalt  }
0x4f: {  	_ =	shalt  }
0x50: {  	_ =	shalt  }
0x51: {  	_ =	shalt  }
0x52: {  	_ =	shalt  }
0x53: {  	_ =	shalt  }
0x54: {  	_ =	shalt  }
0x55: {  	_ =	shalt  }
0x56: {  	_ =	shalt  }
0x57: {  	_ =	shalt  }
0x58: {  	_ =	shalt  }
0x59: {  	_ =	shalt  }
0x5a: {  	_ =	shalt  }
0x5b: {  	_ =	shalt  }
0x5c: {  	_ =	shalt  }
0x5d: {  	_ =	shalt  }
0x5e: {  	_ =	shalt  }
0x5f: {  	_ =	shalt  }
0x60: {  	_ =	shalt  }
0x61: {  	_ =	shalt  }
0x62: {  	_ =	shalt  }
0x63: {  	_ =	shalt  }
0x64: {  	_ =	shalt  }
0x65: {  	_ =	shalt  }
0x66: {  	_ =	shalt  }
0x67: {  	_ =	shalt  }
0x68: {  	_ =	shalt  }
0x69: {  	_ =	shalt  }
0x6a: {  	_ =	shalt  }
0x6b: {  	_ =	shalt  }
0x6c: {  	_ =	shalt  }
0x6d: {  	_ =	shalt  }
0x6e: {  	_ =	shalt  }
0x6f: {  	_ =	shalt  }
0x70: {  	_ =	shalt  }
0x71: {  	_ =	shalt  }
0x72: {  	_ =	shalt  }
0x73: {  	_ =	shalt  }
0x74: {  	_ =	shalt  }
0x75: {  	_ =	shalt  }
0x76: {  	_ =	shalt  }
0x77: {  	_ =	shalt  }
0x78: {  	_ =	shalt  }
0x79: {  	_ =	shalt  }
0x7a: {  	_ =	shalt  }
0x7b: {  	_ =	shalt  }
0x7c: {  	_ =	shalt  }
0x7d: {  	_ =	shalt  }
0x7e: {  	_ =	shalt  }
0x7f: {  	_ =	shalt  }
0x80: {  	_ =	shalt  }
0x81: {  	_ =	shalt  }
0x82: {  	_ =	shalt  }
0x83: {  	_ =	shalt  }
0x84: {  	_ =	shalt  }
0x85: {  	_ =	shalt  }
0x86: {  	_ =	shalt  }
0x87: {  	_ =	shalt  }
.Lfunc_end0:
.L_simem_size_0:
called_computation_lowered:
.L_overlay_start_0:
0x88: {  	s2 =	sld [smem:$0x3FD9]  }
0x89: {  	s3 =	sld [smem:$0x3FFE];
	_ =	sdelay $0x1  }
0x8a: {  	s1 =	srdreg.scid  }
0x8b: {  	s0 =	sand.u32 $0x1, s1  }
0x8c: {  	s17 =	sshll.u32 s0, $0xA;
	s2 =	sadd.s32 s3, s2  }
0x8d: {  	s2 =	sadd.s32 s2, s17  }
0x8e: {  	[smem:$0x3FC2] =	sst s2  }
0x8f: {  	_ = 	snop  }
0x90: {  	s2 =	sld [smem:$0x3FC8]  }
0x91: {  	s18 =	sld [smem:$0x3FD0];
	(tm) =	ssettm $0x1  }
0x92: {  	s4 =	sld [smem:$0x3FFB];
	_ =	sdelay $0x3  }
0x93: {  	_ =	strace s4  }
0x94: {  	s4 =	sld [smem:$0x3FFC];
	_ =	sdelay $0x3  }
0x95: {  	_ =	strace s4  }
0x96: {  	s4 =	sld [smem:$0x3FFD];
	_ =	sdelay $0x3  }
0x97: {  	_ =	strace s4  }
0x98: {  	_ =	strace $0x8FFFFFFF  }
0x99: {  	s19 =	sld [smem:$0x3FDB];
	_ =	sdelay $0x1  }
0x9a: {  	s5 =	simm.s32 $_scs_section_size  }
0x9b: {  	s6 =	simm.s32 $_size__tile_overlayer_lowered;
	s7 =	simm.s32 $_tile_overlayer_lowered  }
0x9c: {  	s22 =	simm.s32 $0x1BFF;
	s21 =	sshll.u32 s7, $0x1;
	s4 =	sadd.s32 s5, s19  }
0x9d: {  	s8 =	simm.s32 $0x0;
	s20 =	sshll.u32 s6, $0x1;
	s6 =	sadd.s32 s21, s4  }
0x9e: {  	[timem:s8], [sflag:s22] =	dma.local [hbm:s6], s20  }
0x9f: {  	_ =	swait.ge [sflag:s22], s20  }
0xa0: {  	s5 =	ssub.s32 $0x0, s20;
	[sflag:s22] =	ssyncset.done $0x0  }
0xa1: {  	[sflag:s22] =	ssyncadd.s32 s5;
	_ =	sdelay $0x1  }
0xa2: {  	s23 =	simm.s32 $0x1B8B  }
0xa3: {  	_ =	swait.ge [sflag:s23], $0x1  }
0xa4: {  	[sflag:s23] =	ssyncset.done $0x0  }
0xa5: {  	s25 =	simm.s32 $0x1B8E;
	s24 =	sld [smem:$0x3FFE];
	[sflag:s23] =	ssyncadd.s32 $0xFFFFFFFF  }
0xa6: {  	s26 =	simm.s32 $execute0_lowered;
	[smem:$0x3FD2] =	sst s25  }
0xa7: {  	s6 =	sshll.u32 s26, $0x1;
	_ =	strace $0x80000046;
	[dreg:$0x1] =	wrdreg $0xFFFFFFFF  }
0xa8: {  	s28 =	simm.s32 $_size_execute0_lowered;
	s4 =	sadd.s32 s4, s6;
	[dreg:$0x0] =	wrdreg $0x0  }
0xa9: {  	s6 =	sshll.u32 s28, $0x1;
	[dreg:$0x2] =	wrdreg s4  }
0xaa: {  	[dreg:$0x3] =	wrdreg s6  }
0xab: {  	[dreg:$0x4] =	wrdreg $0xC0  }
0xac: {  	_ =	task [dreg:s8], $0x5FFFF  }
0xad: {  	[dreg:$0x1] =	wrdreg $0xFFFFFFFF  }
0xae: {  	[dreg:$0x0] =	wrdreg $0x60  }
0xaf: {  	[dreg:$0x2] =	wrdreg s24  }
0xb0: {  	[dreg:$0x3] =	wrdreg s18  }
0xb1: {  	[dreg:$0x4] =	wrdreg s2  }
0xb2: {  	[dreg:$0x5] =	wrdreg $0x0  }
0xb3: {  	[dreg:$0x6] =	wrdreg $0x138800  }
0xb4: {  	[dreg:$0x7] =	wrdreg $0x13AF80  }
0xb5: {  	[dreg:$0x8] =	wrdreg $0x9  }
0xb6: {  	_ =	task.clear_ibuf [dreg:s8], $0x9FFFF;
	_ =	strace $0x90000046  }
0xb7: {  	s29 =	simm.s32 $0x9;
	_ =	strace $0x80000048  }
0xb8: {  	_ =	swait.ge [sflag:s29], $0x1  }
0xb9: {  	[sflag:s29] =	ssyncadd.s32 $0xFFFFFFFF  }
0xba: {  	_ =	strace $0x90000048  }
0xbb: {  	_ =	sfence  }
0xbc: {  	s30 =	sld [smem:$0x0];
	_ =	sdelay $0x2  }
0xbd: {  	s31 =	sshll.u32 s1, $0xD;
	s1 =	sshrl.u32 s1, $0x2  }
0xbe: {  	s3 =	sand.u32 $0x4000, s31;
	s1 =	sadd.s32 s1, s30  }
0xbf: {  	s0 =	sor.u32 s3, s0;
	s1 =	sshll.u32 s1, $0x11  }
0xc0: {  	s0 =	sor.u32 s1, s0  }
0xc1: {  	s0 =	sadd.s32 $0x8F2B, s0  }
0xc2: {  	[sflag:s0] =	ssyncadd.remote.s32 $0x1  }
0xc3: {  	_ =	sfence.sel $0xFFFF  }
0xc4: {  	[dreg:$0x0] =	wrdreg $0xFFFFFFFF;
	(pc) =	sbr.abs _section_cstart, $3  }
0xc5: {  	[dreg:$0x1] =	wrdreg $0xFFFFFFFF  }
0xc6: {  	_ =	task.clear_ibuf [dreg:s8], $0x2FFFF;
	_ =	strace $0x9FFFFFFF  }
0xc7: {  	(tm) =	ssettm $0x7FFFFFFF  }
tec
execute0_lowered:
.L_overlay_start_1:
0x0: {  	(tag) =	ssettag $0x1  }
0x1: {  	s4 =	rddreg [dreg:$0x0]  }
0x2: {  	s0 =	rddreg [dreg:$0x1]  }
0x3: {  	s1 =	rddreg [dreg:$0x2]  }
0x4: {  	s2 =	rddreg [dreg:$0x3]  }
0x5: {  	s5 =	srdreg.scid;
	s3 =	rddreg [dreg:$0x4]  }
0x6: {  	s15 =	stileid.u32;
	s6 =	rddreg [dreg:$0x5];
	s7 =	simm.s32 $0x0  }
0x7: {  	s28 =	simm.s32 $0x3;
	s29 =	simm.s32 $0x13D70;
	s9 =	smul.u32 $0x1F400, s15  }
0x8: {  	s30 =	simm.s32 $0x18D70;
	s31 =	simm.s32 $0x18E70;
	s13 =	smul.u32 $0x1F40, s15  }
0x9: {  	s5 =	sand.u32 $0x1, s5;
	[smem:$0x7FF] =	sst s7;
	s22 =	smul.u32 $0x7D000, s15  }
0xa: {  	s12 =	sshll.u32 s15, $0x1;
	s26 =	smul.u32 $0x4E200, s15;
	p1 =	sgt.u32 s15, $0x9  }
0xb: {  	p0 =	slt.u32 s15, $0x5;
	s8 =	smul.u32 $0x138800, s5;
	_ =	strace $0x80000047  }
0xc: {  	s10 =	sshll.u32 s5, $0x4;
	s11 =	ssub.s32 $0x2, s5;
	s12 =	sor.u32 s5, s12  }
0xd: {  	s19 =	sshrl.u32 s11, $0x1;
	s20 =	sshrl.u32 s13, $0x2;
	s21 =	smul.u32 $0x2710, s12  }
0xe: {  	s12 =	smul.u32 $0x27100, s12;
	s25 =	sshrl.u32 s22, $0x2;
	s18 =	sshrl.u32 s26, $0x2  }
0xf: {  	s8 =	sadd.s32 s9, s8;
	s9 =	sadd.s32 $0x4E3800, s4;
	s14 =	sadd.s32 s20, s6  }
0x10: {  	s8 =	sshrl.u32 s8, $0x3;
	s16 =	sadd.s32 $0xFFFFD8F0, s14;
	s13 =	sshrl.u32 s21, $0x3  }
0x11: {  	s12 =	sadd.s32 s9, s12;
	s21 =	smul.u32 $0x2710, s5;
	s8 =	sadd.s32 s8, s4  }
0x12: {  	s4 =	sadd.s32 s10, s4;
	[dreg:$0x8] =	wrdreg s12;
	s23 =	sadd.s32 s0, s13  }
0x13: {  	s10 =	ssub.s32 s11, s19;
	s24 =	sadd.s32 s1, s13;
	[dreg:$0x9] =	wrdreg s23  }
0x14: {  	s11 =	sadd.s32 s20, s3;
	s20 =	sadd.s32 s18, s2;
	[dreg:$0xa] =	wrdreg s24  }
0x15: {  	s5 =	smul.u32 $0x27100, s5;
	s8 =	sadd.s32 $0x2C00, s8;
	[dreg:$0xf] =	wrdreg s20  }
0x16: {  	s9 =	sadd.s32 s26, s9;
	s17 =	sadd.s32 $0x1800, s4;
	[dreg:$0xb] =	wrdreg s8  }
0x17: {  	s14 =	simm.s32 $0x0;
	s4 =	sadd.s32 $0x2200, s4;
	[dreg:$0xc] =	wrdreg s17  }
0x18: {  	s19 =	smul.u32 $0x4E20, s15;
	s10 =	smax.u32 s10, $0x1;
	[dreg:$0xd] =	wrdreg s4  }
0x19: {  	s12 =	simm.s32 $0x18F70;
	s22 =	sadd.s32 $0x3E80, s20;
	[dreg:$0xe] =	wrdreg s10  }
0x1a: {  	s13 =	simm.s32 $0x2;
	s23 =	sadd.s32 $0x7D00, s20;
	[dreg:$0x10] =	wrdreg s22  }
0x1b: {  	s16 =	smov.u32 @p0 s11;
	s24 =	sadd.s32 $0xBB80, s20;
	[dreg:$0x11] =	wrdreg s23  }
0x1c: {  	p0 =	sne.s32 s15, $0x0;
	s11 =	simm.s32 $0x50;
	[dreg:$0x7] =	wrdreg s16  }
0x1d: {  	s8 =	sadd.s32 s25, s2;
	[dreg:$0x12] =	wrdreg s24;
	s4 =	sadd.s32 s21, s19  }
0x1e: {  	s10 =	sadd.s32 $0xFA00, s20;
	s21 =	sadd.s32 s5, s9;
	s5 =	simm.s32 $0x18DF0  }
0x1f: {  	s9 =	simm.s32 $0x18EF0;
	[dreg:$0x13] =	wrdreg s10;
	s25 =	sadd.s32 $0x50, s4  }
0x20: {  	s22 =	sadd.s32 $0xA0, s4;
	s4 =	sshrl.u32 @!p1 s8, $0x3;
	s10 =	simm.s32 $0x1  }
0x21: {  	s26 =	sshrl.u32 s25, $0x3;
	[dreg:$0x14] =	wrdreg s4;
	s4 =	simm.s32 $0x16570  }
0x22: {  	v0 =	vimm.f32 $0.0e+00;
	v1 =	vimm.f32 $1.000000000e+00;
	s23 =	sadd.s32 s26, s1;
	s24 =	sadd.s32 s26, s0;
	s26 =	simm.s32 $0x18FF0  }
.LBB2_1:
0x23: {  	s8 =	simm.s32 $0x70;
	s15 =	simm.s32 $0x3C0  }
.LBB2_2:
0x24: {  	p2 =	sne.s32 s15, $0xF9C0;
	[tilespmem:s8+$0x18FF0] =	vst v0  }
0x25: {  	[tilespmem:s8+$0x18F80] =	vst v0  }
0x26: {  	[tilespmem:s8+$0x18F90] =	vst v0  }
.Ltmp0:
0x27: {  	[tilespmem:s8+$0x18FA0] =	vst v0;
	(pc) =	sbr.rel @p2 .LBB2_2-.Ltmp0, $4  }
0x28: {  	[tilespmem:s8+$0x18FB0] =	vst v0  }
0x29: {  	[tilespmem:s8+$0x18FC0] =	vst v0  }
0x2a: {  	[tilespmem:s8+$0x18FD0] =	vst v0  }
0x2b: {  	[tilespmem:s8+$0x18FE0] =	vst v0;
	s8 =	sshra.s32 s15, $0x2;
	s15 =	sadd.s32 $0x200, s15  }
0x2c: {  	[tilespmem:s8+$0x18FF0] =	vst v0  }
0x2d: {  	[tilespmem:s8+$0x18F80] =	vst v0  }
0x2e: {  	[tilespmem:s8+$0x18F90] =	vst v0  }
0x2f: {  	[tilespmem:s8+$0x18FA0] =	vst v0  }
0x30: {  	[tilespmem:s8+$0x18FB0] =	vst v0  }
0x31: {  	[tilespmem:s8+$0x18FC0] =	vst v0  }
0x32: {  	[tilespmem:s8+$0x18FD0] =	vst v0  }
0x33: {  	[tilespmem:s8+$0x18FE0] =	vst v0  }
0x34: {  	[tilespmem:$0x18F70] =	vst v1  }
0x35: {  	[tilespmem:$0x18F80] =	vst v1  }
0x36: {  	[tilespmem:$0x18F90] =	vst v1  }
0x37: {  	[tilespmem:$0x18FA0] =	vst v1  }
0x38: {  	s8 =	simm.s32 $0x40;
	s15 =	simm.s32 $0x0;
	[tilespmem:$0x18FB0] =	vst v1  }
.LBB2_4:
0x39: {  	p2 =	sne.s32 s8, $0x1F00;
	[tilespmem:s15+$0x1CFF0] =	vst v0;
	s15 =	smov.u32 s8;
	s8 =	sadd.s32 $0x40, s8  }
.Ltmp1:
0x3a: {  	(pc) =	sbr.rel @p2 .LBB2_4-.Ltmp1, $2  }
0x3b: {  	_ =	sdelay $0x2  }
0x3c: {  	s15 =	sshra.s32 s15, $0x2  }
0x3d: {  	[tilespmem:s15+$0x1CFF0] =	vst v0;
	s8 =	rddreg [dreg:$0xf]  }
0x3e: {  	[spmem:s8] =	stream.linear.scatter [tilespmem:s26], [sflag:$0x3], $0x3E80, $0x38;
	[tilespmem:$0x1D7F0] =	vst v63  }
0x3f: {  	_ =	swait.ge [sflag:s28], $0x3E80  }
0x40: {  	[sflag:s28] =	ssyncset.done $0x0  }
0x41: {  	s15 =	rddreg [dreg:$0x10];
	[sflag:s28] =	ssyncadd.s32 $0xFFFFC180  }
0x42: {  	[spmem:s15] =	stream.linear.scatter [tilespmem:s26], [sflag:$0x3], $0x3E80, $0x38;
	[tilespmem:$0x1D7F0] =	vst v63  }
0x43: {  	_ =	swait.ge [sflag:s28], $0x3E80  }
0x44: {  	[sflag:s28] =	ssyncset.done $0x0  }
0x45: {  	s16 =	rddreg [dreg:$0x11];
	[sflag:s28] =	ssyncadd.s32 $0xFFFFC180  }
0x46: {  	[spmem:s16] =	stream.linear.scatter [tilespmem:s26], [sflag:$0x3], $0x3E80, $0x38;
	[tilespmem:$0x1D7F0] =	vst v63  }
0x47: {  	_ =	swait.ge [sflag:s28], $0x3E80  }
0x48: {  	[sflag:s28] =	ssyncset.done $0x0  }
0x49: {  	s17 =	rddreg [dreg:$0x12];
	[sflag:s28] =	ssyncadd.s32 $0xFFFFC180  }
0x4a: {  	[spmem:s17] =	stream.linear.scatter [tilespmem:s26], [sflag:$0x3], $0x3E80, $0x38;
	[tilespmem:$0x1D7F0] =	vst v63  }
0x4b: {  	_ =	swait.ge [sflag:s28], $0x3E80  }
0x4c: {  	[sflag:s28] =	ssyncset.done $0x0  }
0x4d: {  	s18 =	rddreg [dreg:$0x13];
	[sflag:s28] =	ssyncadd.s32 $0xFFFFC180  }
0x4e: {  	[spmem:s18] =	stream.linear.scatter [tilespmem:s26], [sflag:$0x3], $0x3E80, $0x38;
	[tilespmem:$0x1D7F0] =	vst v63  }
0x4f: {  	_ =	swait.ge [sflag:s28], $0x3E80  }
0x50: {  	[sflag:s28] =	ssyncset.done $0x0  }
0x51: {  	s8 =	simm.s32 @!p1 $0x1CFF0;
	s15 =	rddreg [dreg:$0x7];
	[sflag:s28] =	ssyncadd.s32 $0xFFFFC180  }
0x52: {  	[spmem:s15] =	stream.linear.scatter @!p1 [tilespmem:s8], [sflag:$0x3], $0x7D0, $0x38;
	[tilespmem:$0x1D7F0] =	vst v63  }
0x53: {  	s8 =	simm.s32 @!p1 $0x3  }
0x54: {  	_ =	swait.ge @!p1 [sflag:s8], $0x7D0  }
0x55: {  	[sflag:s8] =	ssyncset.done @!p1 $0x0  }
0x56: {  	[sflag:s8] =	ssyncadd.s32 @!p1 $0xFFFFF830  }
0x57: {  	[bflag:$0x0] =	sbarrier.arrive $0xFFFF  }
0x58: {  	s19 =	simm.s32 $0x0;
	s20 =	rddreg [dreg:$0x8]  }
0x59: {  	[tilespmem:s29], [sflag:$0x1] =	stream.linear.gather [hbm4b:s20+s19], $0x2800, $0x38;
	[tilespmem:$0x1D7F0] =	vst v63  }
0x5a: {  	s25 =	rddreg [dreg:$0x9]  }
0x5b: {  	[tilespmem:s30], [sflag:$0x1] =	stream.linear.gather [hbm4b:s25+s19], $0x50, $0x38;
	[tilespmem:$0x1D7F0] =	vst v63  }
0x5c: {  	s17 =	sadd.s32 $0x0, s21;
	s16 =	rddreg [dreg:$0xa]  }
0x5d: {  	[tilespmem:s31], [sflag:$0x1] =	stream.linear.gather [hbm4b:s16+s19], $0x50, $0x38;
	[tilespmem:$0x1D7F0] =	vst v63  }
0x5e: {  	s18 =	sadd.s32 $0x500, s17  }
0x5f: {  	[tilespmem:s4], [sflag:$0x2] =	stream.linear.gather [hbm4b:s18+s7], $0x2800, $0x38;
	[tilespmem:$0x1D7F0] =	vst v63  }
0x60: {  	_ = 	snop  }
0x61: {  	[tilespmem:s5], [sflag:$0x2] =	stream.linear.gather [hbm4b:s24+s7], $0x50, $0x38;
	[tilespmem:$0x1D7F0] =	vst v63  }
0x62: {  	_ = 	snop  }
0x63: {  	[tilespmem:s9], [sflag:$0x2] =	stream.linear.gather [hbm4b:s23+s7], $0x50, $0x38;
	[tilespmem:$0x1D7F0] =	vst v63  }
0x64: {  	_ =	swait.ge [sflag:s10], $0x2800  }
0x65: {  	[sflag:s10] =	ssyncset.done $0x0  }
0x66: {  	[sflag:s10] =	ssyncadd.s32 $0xFFFFD800  }
0x67: {  	_ =	swait.ge [sflag:s10], $0x50  }
0x68: {  	[sflag:s10] =	ssyncset.done $0x0  }
0x69: {  	[sflag:s10] =	ssyncadd.s32 $0xFFFFFFB0  }
0x6a: {  	_ =	swait.ge [sflag:s10], $0x50  }
0x6b: {  	[sflag:s10] =	ssyncset.done $0x0  }
0x6c: {  	[sflag:s10] =	ssyncadd.s32 $0xFFFFFFB0  }
0x6d: {  	[spmem:s2] =	stream.indirect.scatter.add.f32 [tilespmem:s29], [sflag:$0x3], $0x80, s31, s11, $0xb8;
	[tilespmem:$0x1D7F0] =	vst v63  }
0x6e: {  	_ =	swait.ge [sflag:s28], $0x2800  }
0x6f: {  	[sflag:s28] =	ssyncset.done $0x0  }
0x70: {  	[sflag:s28] =	ssyncadd.s32 $0xFFFFD800  }
0x71: {  	[spmem:s3] =	stream.indirect.scatter.add.f32 [tilespmem:s30], [sflag:$0x3], $0x1, s31, s11, $0xb8;
	[tilespmem:$0x1D7F0] =	vst v63  }
0x72: {  	_ =	swait.ge [sflag:s28], $0x50  }
0x73: {  	[sflag:s28] =	ssyncset.done $0x0  }
0x74: {  	[sflag:s28] =	ssyncadd.s32 $0xFFFFFFB0  }
0x75: {  	[spmem:s6] =	stream.indirect.scatter.add.f32 [tilespmem:s12], [sflag:$0x3], $0x1, s31, s11, $0xb8;
	[tilespmem:$0x1D7F0] =	vst v63  }
0x76: {  	_ =	swait.ge [sflag:s28], $0x50  }
0x77: {  	[sflag:s28] =	ssyncset.done $0x0  }
0x78: {  	s8 =	sadd.s32 $0xA00, s17;
	s19 =	sshrl.u32 s22, $0x3;
	[sflag:s28] =	ssyncadd.s32 $0xFFFFFFB0  }
0x79: {  	[tilespmem:s29], [sflag:$0x1] =	stream.linear.gather [hbm4b:s8+s7], $0x2800, $0x38;
	[tilespmem:$0x1D7F0] =	vst v63  }
0x7a: {  	s20 =	sadd.s32 s0, s19  }
0x7b: {  	[tilespmem:s30], [sflag:$0x1] =	stream.linear.gather [hbm4b:s20+s7], $0x50, $0x38;
	[tilespmem:$0x1D7F0] =	vst v63  }
0x7c: {  	s25 =	sadd.s32 s1, s19  }
0x7d: {  	[tilespmem:s31], [sflag:$0x1] =	stream.linear.gather [hbm4b:s25+s7], $0x50, $0x38;
	[tilespmem:$0x1D7F0] =	vst v63  }
0x7e: {  	_ =	swait.ge [sflag:s13], $0x2800  }
0x7f: {  	[sflag:s13] =	ssyncset.done $0x0  }
0x80: {  	[sflag:s13] =	ssyncadd.s32 $0xFFFFD800  }
0x81: {  	_ =	swait.ge [sflag:s13], $0x50  }
0x82: {  	[sflag:s13] =	ssyncset.done $0x0  }
0x83: {  	[sflag:s13] =	ssyncadd.s32 $0xFFFFFFB0  }
0x84: {  	_ =	swait.ge [sflag:s13], $0x50  }
0x85: {  	[sflag:s13] =	ssyncset.done $0x0  }
0x86: {  	[sflag:s13] =	ssyncadd.s32 $0xFFFFFFB0  }
0x87: {  	[spmem:s2] =	stream.indirect.scatter.add.f32 [tilespmem:s4], [sflag:$0x3], $0x80, s9, s11, $0xb8;
	[tilespmem:$0x1D7F0] =	vst v63  }
0x88: {  	_ =	swait.ge [sflag:s28], $0x2800  }
0x89: {  	[sflag:s28] =	ssyncset.done $0x0  }
0x8a: {  	[sflag:s28] =	ssyncadd.s32 $0xFFFFD800  }
0x8b: {  	[spmem:s3] =	stream.indirect.scatter.add.f32 [tilespmem:s5], [sflag:$0x3], $0x1, s9, s11, $0xb8;
	[tilespmem:$0x1D7F0] =	vst v63  }
0x8c: {  	_ =	swait.ge [sflag:s28], $0x50  }
0x8d: {  	[sflag:s28] =	ssyncset.done $0x0  }
0x8e: {  	s15 =	sadd.s32 $0xA0, s22;
	[sflag:s28] =	ssyncadd.s32 $0xFFFFFFB0  }
0x8f: {  	[spmem:s6] =	stream.indirect.scatter.add.f32 [tilespmem:s12], [sflag:$0x3], $0x1, s9, s11, $0xb8;
	[tilespmem:$0x1D7F0] =	vst v63  }
0x90: {  	s17 =	sadd.s32 $0x14, s23;
	s19 =	simm.s32 $0x1400;
	_ =	swait.ge [sflag:s28], $0x50  }
0x91: {  	s18 =	sadd.s32 $0x14, s24;
	s8 =	sadd.s32 $0xA00, s21;
	[sflag:s28] =	ssyncset.done $0x0  }
.LBB2_6:
0x92: {  	s16 =	sadd.s32 $0x500, s8  }
0x93: {  	[sflag:s28] =	ssyncadd.s32 $0xFFFFFFB0;
	s20 =	smov.u32 s19;
	s25 =	sadd.s32 $0xA00, s19  }
0x94: {  	[tilespmem:s4], [sflag:$0x2] =	stream.linear.gather [hbm4b:s16+s7], $0x2800, $0x38;
	[tilespmem:$0x1D7F0] =	vst v63  }
0x95: {  	p2 =	sne.s32 s19, $0x26200  }
0x96: {  	[tilespmem:s5], [sflag:$0x2] =	stream.linear.gather [hbm4b:s18+s7], $0x50, $0x38;
	[tilespmem:$0x1D7F0] =	vst v63  }
0x97: {  	_ = 	snop  }
0x98: {  	[tilespmem:s9], [sflag:$0x2] =	stream.linear.gather [hbm4b:s17+s7], $0x50, $0x38;
	[tilespmem:$0x1D7F0] =	vst v63  }
0x99: {  	_ =	swait.ge [sflag:s10], $0x2800  }
0x9a: {  	[sflag:s10] =	ssyncset.done $0x0  }
0x9b: {  	[sflag:s10] =	ssyncadd.s32 $0xFFFFD800  }
0x9c: {  	_ =	swait.ge [sflag:s10], $0x50  }
0x9d: {  	[sflag:s10] =	ssyncset.done $0x0  }
0x9e: {  	[sflag:s10] =	ssyncadd.s32 $0xFFFFFFB0  }
0x9f: {  	_ =	swait.ge [sflag:s10], $0x50  }
0xa0: {  	[sflag:s10] =	ssyncset.done $0x0  }
0xa1: {  	[sflag:s10] =	ssyncadd.s32 $0xFFFFFFB0  }
0xa2: {  	[spmem:s2] =	stream.indirect.scatter.add.f32 [tilespmem:s29], [sflag:$0x3], $0x80, s31, s11, $0xb8;
	[tilespmem:$0x1D7F0] =	vst v63  }
0xa3: {  	_ =	swait.ge [sflag:s28], $0x2800  }
0xa4: {  	[sflag:s28] =	ssyncset.done $0x0  }
0xa5: {  	[sflag:s28] =	ssyncadd.s32 $0xFFFFD800  }
0xa6: {  	[spmem:s3] =	stream.indirect.scatter.add.f32 [tilespmem:s30], [sflag:$0x3], $0x1, s31, s11, $0xb8;
	[tilespmem:$0x1D7F0] =	vst v63  }
0xa7: {  	_ =	swait.ge [sflag:s28], $0x50  }
0xa8: {  	[sflag:s28] =	ssyncset.done $0x0  }
0xa9: {  	[sflag:s28] =	ssyncadd.s32 $0xFFFFFFB0  }
0xaa: {  	[spmem:s6] =	stream.indirect.scatter.add.f32 [tilespmem:s12], [sflag:$0x3], $0x1, s31, s11, $0xb8;
	[tilespmem:$0x1D7F0] =	vst v63  }
0xab: {  	_ =	swait.ge [sflag:s28], $0x50  }
0xac: {  	[sflag:s28] =	ssyncset.done $0x0  }
0xad: {  	s8 =	sadd.s32 $0xA00, s8;
	s16 =	sshrl.u32 s15, $0x3;
	[sflag:s28] =	ssyncadd.s32 $0xFFFFFFB0  }
0xae: {  	[tilespmem:s29], [sflag:$0x1] =	stream.linear.gather [hbm4b:s8+s7], $0x2800, $0x38;
	[tilespmem:$0x1D7F0] =	vst v63  }
0xaf: {  	s8 =	sadd.s32 s0, s16  }
0xb0: {  	[tilespmem:s30], [sflag:$0x1] =	stream.linear.gather [hbm4b:s8+s7], $0x50, $0x38;
	[tilespmem:$0x1D7F0] =	vst v63  }
0xb1: {  	s8 =	sadd.s32 s1, s16  }
0xb2: {  	[tilespmem:s31], [sflag:$0x1] =	stream.linear.gather [hbm4b:s8+s7], $0x50, $0x38;
	[tilespmem:$0x1D7F0] =	vst v63  }
0xb3: {  	_ =	swait.ge [sflag:s13], $0x2800  }
0xb4: {  	[sflag:s13] =	ssyncset.done $0x0  }
0xb5: {  	[sflag:s13] =	ssyncadd.s32 $0xFFFFD800  }
0xb6: {  	_ =	swait.ge [sflag:s13], $0x50  }
0xb7: {  	[sflag:s13] =	ssyncset.done $0x0  }
0xb8: {  	[sflag:s13] =	ssyncadd.s32 $0xFFFFFFB0  }
0xb9: {  	_ =	swait.ge [sflag:s13], $0x50  }
0xba: {  	[sflag:s13] =	ssyncset.done $0x0  }
0xbb: {  	[sflag:s13] =	ssyncadd.s32 $0xFFFFFFB0  }
0xbc: {  	[spmem:s2] =	stream.indirect.scatter.add.f32 [tilespmem:s4], [sflag:$0x3], $0x80, s9, s11, $0xb8;
	[tilespmem:$0x1D7F0] =	vst v63  }
0xbd: {  	_ =	swait.ge [sflag:s28], $0x2800  }
0xbe: {  	[sflag:s28] =	ssyncset.done $0x0  }
0xbf: {  	[sflag:s28] =	ssyncadd.s32 $0xFFFFD800  }
0xc0: {  	[spmem:s3] =	stream.indirect.scatter.add.f32 [tilespmem:s5], [sflag:$0x3], $0x1, s9, s11, $0xb8;
	[tilespmem:$0x1D7F0] =	vst v63  }
0xc1: {  	_ =	swait.ge [sflag:s28], $0x50  }
.Ltmp2:
0xc2: {  	[sflag:s28] =	ssyncset.done $0x0;
	(pc) =	sbr.rel @p2 .LBB2_6-.Ltmp2, $4  }
0xc3: {  	s15 =	sadd.s32 $0xA0, s15;
	[sflag:s28] =	ssyncadd.s32 $0xFFFFFFB0  }
0xc4: {  	[spmem:s6] =	stream.indirect.scatter.add.f32 [tilespmem:s12], [sflag:$0x3], $0x1, s9, s11, $0xb8;
	[tilespmem:$0x1D7F0] =	vst v63  }
0xc5: {  	s18 =	sadd.s32 $0x14, s18;
	s17 =	sadd.s32 $0x14, s17;
	_ =	swait.ge [sflag:s28], $0x50  }
0xc6: {  	s19 =	smov.u32 s25;
	s8 =	sadd.s32 s20, s21;
	[sflag:s28] =	ssyncset.done $0x0  }
0xc7: {  	s16 =	sadd.s32 $0x500, s8;
	[sflag:s28] =	ssyncadd.s32 $0xFFFFFFB0  }
0xc8: {  	[tilespmem:s4], [sflag:$0x2] =	stream.linear.gather [hbm4b:s16+s7], $0x2800, $0x38;
	[tilespmem:$0x1D7F0] =	vst v63  }
0xc9: {  	_ = 	snop  }
0xca: {  	[tilespmem:s5], [sflag:$0x2] =	stream.linear.gather [hbm4b:s18+s7], $0x50, $0x38;
	[tilespmem:$0x1D7F0] =	vst v63  }
0xcb: {  	_ = 	snop  }
0xcc: {  	[tilespmem:s9], [sflag:$0x2] =	stream.linear.gather [hbm4b:s17+s7], $0x50, $0x38;
	[tilespmem:$0x1D7F0] =	vst v63  }
0xcd: {  	_ =	swait.ge [sflag:s10], $0x2800  }
0xce: {  	[sflag:s10] =	ssyncset.done $0x0  }
0xcf: {  	[sflag:s10] =	ssyncadd.s32 $0xFFFFD800  }
0xd0: {  	_ =	swait.ge [sflag:s10], $0x50  }
0xd1: {  	[sflag:s10] =	ssyncset.done $0x0  }
0xd2: {  	[sflag:s10] =	ssyncadd.s32 $0xFFFFFFB0  }
0xd3: {  	_ =	swait.ge [sflag:s10], $0x50  }
0xd4: {  	[sflag:s10] =	ssyncset.done $0x0  }
0xd5: {  	[sflag:s10] =	ssyncadd.s32 $0xFFFFFFB0  }
0xd6: {  	[spmem:s2] =	stream.indirect.scatter.add.f32 [tilespmem:s29], [sflag:$0x3], $0x80, s31, s11, $0xb8;
	[tilespmem:$0x1D7F0] =	vst v63  }
0xd7: {  	_ =	swait.ge [sflag:s28], $0x2800  }
0xd8: {  	[sflag:s28] =	ssyncset.done $0x0  }
0xd9: {  	[sflag:s28] =	ssyncadd.s32 $0xFFFFD800  }
0xda: {  	[spmem:s3] =	stream.indirect.scatter.add.f32 [tilespmem:s30], [sflag:$0x3], $0x1, s31, s11, $0xb8;
	[tilespmem:$0x1D7F0] =	vst v63  }
0xdb: {  	_ =	swait.ge [sflag:s28], $0x50  }
0xdc: {  	[sflag:s28] =	ssyncset.done $0x0  }
0xdd: {  	[sflag:s28] =	ssyncadd.s32 $0xFFFFFFB0  }
0xde: {  	[spmem:s6] =	stream.indirect.scatter.add.f32 [tilespmem:s12], [sflag:$0x3], $0x1, s31, s11, $0xb8;
	[tilespmem:$0x1D7F0] =	vst v63  }
0xdf: {  	_ =	swait.ge [sflag:s28], $0x50  }
0xe0: {  	[sflag:s28] =	ssyncset.done $0x0  }
0xe1: {  	s15 =	sshrl.u32 s15, $0x3;
	s18 =	sadd.s32 $0xA00, s8;
	[sflag:s28] =	ssyncadd.s32 $0xFFFFFFB0  }
0xe2: {  	[tilespmem:s29], [sflag:$0x1] =	stream.linear.gather [hbm4b:s18+s7], $0x2800, $0x38;
	[tilespmem:$0x1D7F0] =	vst v63  }
0xe3: {  	s19 =	sadd.s32 s0, s15  }
0xe4: {  	[tilespmem:s30], [sflag:$0x1] =	stream.linear.gather [hbm4b:s19+s7], $0x50, $0x38;
	[tilespmem:$0x1D7F0] =	vst v63  }
0xe5: {  	s20 =	sadd.s32 s1, s15  }
0xe6: {  	[tilespmem:s31], [sflag:$0x1] =	stream.linear.gather [hbm4b:s20+s7], $0x50, $0x38;
	[tilespmem:$0x1D7F0] =	vst v63  }
0xe7: {  	_ =	swait.ge [sflag:s13], $0x2800  }
0xe8: {  	[sflag:s13] =	ssyncset.done $0x0  }
0xe9: {  	[sflag:s13] =	ssyncadd.s32 $0xFFFFD800  }
0xea: {  	_ =	swait.ge [sflag:s13], $0x50  }
0xeb: {  	[sflag:s13] =	ssyncset.done $0x0  }
0xec: {  	[sflag:s13] =	ssyncadd.s32 $0xFFFFFFB0  }
0xed: {  	_ =	swait.ge [sflag:s13], $0x50  }
0xee: {  	[sflag:s13] =	ssyncset.done $0x0  }
0xef: {  	[sflag:s13] =	ssyncadd.s32 $0xFFFFFFB0  }
0xf0: {  	[spmem:s2] =	stream.indirect.scatter.add.f32 [tilespmem:s4], [sflag:$0x3], $0x80, s9, s11, $0xb8;
	[tilespmem:$0x1D7F0] =	vst v63  }
0xf1: {  	_ =	swait.ge [sflag:s28], $0x2800  }
0xf2: {  	[sflag:s28] =	ssyncset.done $0x0  }
0xf3: {  	[sflag:s28] =	ssyncadd.s32 $0xFFFFD800  }
0xf4: {  	[spmem:s3] =	stream.indirect.scatter.add.f32 [tilespmem:s5], [sflag:$0x3], $0x1, s9, s11, $0xb8;
	[tilespmem:$0x1D7F0] =	vst v63  }
0xf5: {  	_ =	swait.ge [sflag:s28], $0x50  }
0xf6: {  	[sflag:s28] =	ssyncset.done $0x0  }
0xf7: {  	[sflag:s28] =	ssyncadd.s32 $0xFFFFFFB0  }
0xf8: {  	[spmem:s6] =	stream.indirect.scatter.add.f32 [tilespmem:s12], [sflag:$0x3], $0x1, s9, s11, $0xb8;
	[tilespmem:$0x1D7F0] =	vst v63  }
0xf9: {  	_ =	swait.ge [sflag:s28], $0x50  }
0xfa: {  	[sflag:s28] =	ssyncset.done $0x0  }
0xfb: {  	[sflag:s28] =	ssyncadd.s32 $0xFFFFFFB0  }
0xfc: {  	_ =	swait.ge [sflag:s10], $0x2800  }
0xfd: {  	[sflag:s10] =	ssyncset.done $0x0  }
0xfe: {  	[sflag:s10] =	ssyncadd.s32 $0xFFFFD800  }
0xff: {  	_ =	swait.ge [sflag:s10], $0x50  }
0x100: {  	[sflag:s10] =	ssyncset.done $0x0  }
0x101: {  	[sflag:s10] =	ssyncadd.s32 $0xFFFFFFB0  }
0x102: {  	_ =	swait.ge [sflag:s10], $0x50  }
0x103: {  	[sflag:s10] =	ssyncset.done $0x0  }
0x104: {  	[sflag:s10] =	ssyncadd.s32 $0xFFFFFFB0  }
0x105: {  	[spmem:s2] =	stream.indirect.scatter.add.f32 [tilespmem:s29], [sflag:$0x3], $0x80, s31, s11, $0xb8;
	[tilespmem:$0x1D7F0] =	vst v63  }
0x106: {  	_ =	swait.ge [sflag:s28], $0x2800  }
0x107: {  	[sflag:s28] =	ssyncset.done $0x0  }
0x108: {  	[sflag:s28] =	ssyncadd.s32 $0xFFFFD800  }
0x109: {  	[spmem:s3] =	stream.indirect.scatter.add.f32 [tilespmem:s30], [sflag:$0x3], $0x1, s31, s11, $0xb8;
	[tilespmem:$0x1D7F0] =	vst v63  }
0x10a: {  	_ =	swait.ge [sflag:s28], $0x50  }
0x10b: {  	[sflag:s28] =	ssyncset.done $0x0  }
0x10c: {  	[sflag:s28] =	ssyncadd.s32 $0xFFFFFFB0  }
0x10d: {  	[spmem:s6] =	stream.indirect.scatter.add.f32 [tilespmem:s12], [sflag:$0x3], $0x1, s31, s11, $0xb8;
	[tilespmem:$0x1D7F0] =	vst v63  }
0x10e: {  	_ =	swait.ge [sflag:s28], $0x50  }
0x10f: {  	[sflag:s28] =	ssyncset.done $0x0  }
0x110: {  	[sflag:s28] =	ssyncadd.s32 $0xFFFFFFB0  }
0x111: {  	s8 =	stileid.u32;
	[bflag:$0x0] =	sbarrier.arrive $0xFFFF  }
0x112: {  	s8 =	sshll.u32 @!p1 s8, $0x6;
	s15 =	rddreg [dreg:$0xb]  }
0x113: {  	s8 =	sor.u32 @!p1 $0x1C03, s8;
	s16 =	rddreg [dreg:$0x14]  }
0x114: {  	[hbm:s15], [sflag:s8] =	dma.local @!p1 [spmem:s16], $0x3E80  }
0x115: {  	s8 =	simm.s32 @!p1 $0x3  }
0x116: {  	s17 =	simm.s32 @!p0 $0x10;
	s18 =	simm.s32 @!p0 $0x1C03;
	_ =	swait.ge @!p1 [sflag:s8], $0x3E80  }
0x117: {  	s15 =	simm.s32 @!p0 $0x1;
	s16 =	simm.s32 @!p0 $0x20;
	[sflag:s8] =	ssyncset.done @!p1 $0x0  }
0x118: {  	s19 =	rddreg [dreg:$0xc];
	[sflag:s8] =	ssyncadd.s32 @!p1 $0xFFFFC180;
	s8 =	sshrl.u32 @!p0 s3, $0x3  }
0x119: {  	[hbm:s19@s16], [sflag:s18] =	dma.strided @!p0 [spmem:s8@s17], $0x4F0, s15, $0x10   }
0x11a: {  	s8 =	simm.s32 @!p0 $0x3  }
0x11b: {  	_ =	swait.ge @!p0 [sflag:s8], $0x4F0  }
0x11c: {  	[sflag:s8] =	ssyncset.done @!p0 $0x0  }
0x11d: {  	s19 =	sshrl.u32 @!p0 s6, $0x3;
	s20 =	rddreg [dreg:$0xd];
	[sflag:s8] =	ssyncadd.s32 @!p0 $0xFFFFFB10  }
0x11e: {  	[hbm:s20@s16], [sflag:s18] =	dma.strided @!p0 [spmem:s19@s17], $0x4F0, s15, $0x10   }
0x11f: {  	_ =	swait.ge @!p0 [sflag:s8], $0x4F0  }
0x120: {  	s14 =	sadd.s32 $0x1, s14;
	s25 =	rddreg [dreg:$0xe]  }
0x121: {  	p2 =	sne.s32 s14, s25  }
.Ltmp3:
0x122: {  	_ = 	snop;
	(pc) =	sbr.rel @p2 .LBB2_1-.Ltmp3, $3  }
0x123: {  	_ =	sdelay $0x1  }
0x124: {  	[sflag:s8] =	ssyncset.done @!p0 $0x0  }
0x125: {  	[sflag:s8] =	ssyncadd.s32 @!p0 $0xFFFFFB10  }
0x126: {  	_ =	sfence.sel $0x180000  }
0x127: {  	[bflag:$0x0] =	sbarrier.arrive $0xFFFF  }
0x128: {  	_ =	strace $0x90000047  }
0x129: {  	[bflag:$0x2] =	sbarrier.arrive $0xFFFF  }
0x12a: {  	s0 =	rddreg [dreg:$0x6]  }
0x12b: {  	s0 =	sadd.s32 @!p0 $0x100000, s0  }
0x12c: {  	[sflag:s0] =	ssyncadd.tile.s32 @!p0 $0x1;
	_ =	shalt  }
.Lfunc_end2:
_tile_overlayer_lowered:
.L_overlay_start_2:
0x12d: {  	(tag) =	ssettag $0x2  }
0x12e: {  	s0 =	rddreg [dreg:$0x0];
	s2 =	stileid.u32  }
0x12f: {  	s1 =	rddreg [dreg:$0x1];
	p0 =	sne.s32 s2, $0x0  }
0x130: {  	s3 =	rddreg [dreg:$0x2];
	[bflag:$0x3] =	sbarrier.arrive $0xFFFF;
	s2 =	simm.s32 @!p0 $0x1C03  }
0x131: {  	[timem:s3], [sflag:s2] =	dma.local @!p0 [hbm:s0], s1  }
0x132: {  	s0 =	simm.s32 @!p0 $0x3  }
0x133: {  	_ =	swait.ge @!p0 [sflag:s0], s1  }
0x134: {  	s1 =	ssub.s32 @!p0 $0x0, s1;
	[sflag:s0] =	ssyncset.done @!p0 $0x0  }
0x135: {  	[sflag:s0] =	ssyncadd.s32 @!p0 s1  }
0x136: {  	[bflag:$0x3] =	sbarrier.arrive $0xFFFF  }
0x137: {  	_ =	shalt  }

</sc_bundles>
